<compile_context>
chip_gen: v7x
topology: tpu7x:2x2x1
jax: 0.10.2.dev20260603
libtpu: 0.0.44.dev20260713+nightly
codegen_flags: <defaults>
</compile_context>

<pallas_src>
import functools

import jax
import jax.numpy as jnp
from jax import lax
from jax.experimental import pallas as pl
from jax.experimental.pallas import tpu as pltpu
from jax.experimental.pallas import tpu_sc as plsc

B, T, D = 8, 1024, 256
G, K = 8, 8192
GD = D // G
N = B * T
TN = 1024
NB = N // TN
TK = 1024
NKC = K // TK


def _vq_argmin_kernel(zt_ref, cb_ref, zn_ref, cbn_ref, idx_ref, fidx_ref,
                      loss_ref):
    g = pl.program_id(0)
    nb = pl.program_id(1)
    z = zt_ref[0]
    zb = z.astype(jnp.bfloat16)
    zn = zn_ref[0, 0, :][None, :]

    def body(c, carry):
        rmin, rarg = carry
        cbc = cb_ref[0, pl.ds(c * TK, TK), :]
        prod2 = lax.dot_general(cbc.astype(jnp.bfloat16) * jnp.bfloat16(-2.0),
                                zb, (((1,), (1,)), ((), ())),
                                preferred_element_type=jnp.float32)
        cbn = cbn_ref[0, 0, pl.ds(c * TK, TK)][:, None]
        dist = (zn + prod2) + cbn
        v = dist
        i = None
        r = TK
        while r > 1:
            h = r // 2
            vlo, vhi = v[:h], v[h:]
            cond = vhi < vlo
            v = jnp.where(cond, vhi, vlo)
            if i is None:
                ilo = lax.broadcasted_iota(jnp.int32, (h, TN), 0)
                i = jnp.where(cond, ilo + h, ilo)
            else:
                i = jnp.where(cond, i[h:], i[:h])
            r = h
        m = v[0]
        a = i[0] + c * TK
        rmin = jnp.where(c == NKC // 2,
                         rmin.astype(jnp.bfloat16).astype(jnp.float32), rmin)
        better = m < rmin
        return (jnp.where(better, m, rmin), jnp.where(better, a, rarg))

    rmin0 = jnp.full((TN,), jnp.inf, jnp.float32)
    rarg0 = jnp.zeros((TN,), jnp.int32)
    carry = (rmin0, rarg0)
    for c in range(NKC):
        carry = body(c, carry)
    rmin, rarg = carry

    idx_ref[0, 0, :] = rarg
    fidx_ref[0, 0, :] = rarg + g * K

    first = jnp.logical_and(g == 0, nb == 0)
    last = jnp.logical_and(g == G - 1, nb == NB - 1)
    prev = jnp.where(first, jnp.zeros((1, 1), jnp.float32), loss_ref[...])
    total = prev + jnp.sum(rmin)
    loss_ref[...] = jnp.where(last, total * (2.0 / (N * GD)), total)


def _run_argmin(zt, codebooks, zn, cbn):
    return pl.pallas_call(
        _vq_argmin_kernel,
        grid=(G, NB),
        in_specs=[
            pl.BlockSpec((1, TN, GD), lambda g, nb: (g, nb, 0)),
            pl.BlockSpec((1, K, GD), lambda g, nb: (g, 0, 0)),
            pl.BlockSpec((1, 1, TN), lambda g, nb: (g * NB + nb, 0, 0)),
            pl.BlockSpec((1, 1, K), lambda g, nb: (g, 0, 0)),
        ],
        out_specs=[
            pl.BlockSpec((1, 1, TN), lambda g, nb: (g * NB + nb, 0, 0)),
            pl.BlockSpec((1, 1, TN), lambda g, nb: (g * NB + nb, 0, 0)),
            pl.BlockSpec((1, 1), lambda g, nb: (0, 0)),
        ],
        out_shape=[
            jax.ShapeDtypeStruct((G * NB, 1, TN), jnp.int32),
            jax.ShapeDtypeStruct((G * NB, 1, TN), jnp.int32),
            jax.ShapeDtypeStruct((1, 1), jnp.float32),
        ],
    )(zt, codebooks, zn, cbn)



NG = N * G
_NC = 2
_NW = 32
RPW = NG // _NW
CH = 128
NCH = RPW // CH


@functools.cache
def _make_sc_gather():
    @functools.partial(
        pl.kernel,
        mesh=plsc.VectorSubcoreMesh(core_axis_name="c", subcore_axis_name="s"),
        out_type=jax.ShapeDtypeStruct((NG, GD), jnp.float32),
        scratch_types=[
            pltpu.VMEM((NCH, CH), jnp.int32),
            pltpu.VMEM((RPW, GD), jnp.float32),
            pltpu.SemaphoreType.DMA,
        ],
        compiler_params=pltpu.CompilerParams(use_tc_tiling_on_sc=False),
    )
    def _sc_gather(table_hbm, fidx_hbm, out_hbm, idx_v, rows_v, sem):
        wid = lax.axis_index("s") * _NC + lax.axis_index("c")
        pltpu.sync_copy(fidx_hbm.at[pl.ds(wid * NCH, NCH)], idx_v)
        copies = []
        for j in range(NCH):
            copies.append(
                pltpu.async_copy(table_hbm.at[idx_v.at[j]],
                                 rows_v.at[pl.ds(j * CH, CH)], sem))
        for c in copies:
            c.wait()
        pltpu.sync_copy(rows_v, out_hbm.at[pl.ds(wid * RPW, RPW)])

    return _sc_gather


def kernel(z_e, codebooks):
    zt = z_e.reshape(N, G, GD).transpose(1, 0, 2)
    zn = jnp.sum(zt * zt, axis=2).reshape(G * NB, 1, TN)
    cbn = jnp.sum(codebooks * codebooks, axis=2).reshape(G, 1, K)
    idx_g, fidx_g, loss = _run_argmin(zt, codebooks, zn, cbn)
    idx = idx_g.reshape(G, N).T
    fidx = fidx_g.reshape(G, N).T.reshape(_NW * NCH, CH)
    table = codebooks.reshape(G * K, GD)
    zq = _make_sc_gather()(table, fidx)
    return (zq.reshape(B, T, D), loss[0, 0], idx.reshape(B, T, G))

# --- scband reference (transcript-rebuilt; emitter-appended) ---
"""Pipeline reference for scband-grouped-vector-quantizer-81750407512158 (READ-ONLY COPY).

The authoritative reference and input builder live on the scoring server;
editing this copy changes nothing except your own understanding.
"""

import jax, jax.numpy as jnp
import numpy as np

B, T, D = 8, 1024, 256
G, K = 8, 8192
GD = D // G

def setup_inputs(seed: int = 0) -> dict:
    key = jax.random.key(seed)
    k1, k2 = jax.random.split(key)
    z_e = jax.random.normal(k1, (B, T, D), dtype=jnp.float32)
    # learned codebooks: G codebooks of shape (K, group_dim), init N(0, 0.1)
    codebooks = jax.random.normal(k2, (G, K, GD), dtype=jnp.float32) * 0.1
    return {"z_e": z_e, "codebooks": codebooks}

def reference(z_e, codebooks):
    b, t, d = z_e.shape
    g_, k_, gd = codebooks.shape
    parts = z_e.reshape(b * t, g_, gd)
    zq_parts = []
    all_idx = []
    codebook_loss = jnp.float32(0.0)
    commit_loss = jnp.float32(0.0)
    for g in range(g_):
        z = parts[:, g, :]
        cb = codebooks[g]
        z_norm = jnp.sum(z ** 2, axis=1, keepdims=True)
        cb_norm = jnp.sum(cb ** 2, axis=1)[None, :]
        dist = z_norm - 2.0 * (z @ cb.T) + cb_norm
        idx = jnp.argmin(dist, axis=1)
        z_q = jnp.take(cb, idx, axis=0)
        z_q_st = z + jax.lax.stop_gradient(z_q - z)
        codebook_loss = codebook_loss + jnp.mean((jax.lax.stop_gradient(z_q) - z) ** 2)
        commit_loss = commit_loss + jnp.mean((z_q - jax.lax.stop_gradient(z)) ** 2)
        zq_parts.append(z_q_st)
        all_idx.append(idx)
    z_q_flat = jnp.concatenate(zq_parts, axis=1)
    idx = jnp.stack(all_idx, axis=1)
    z_q = z_q_flat.reshape(b, t, d)
    idx = idx.reshape(b, t, g_)
    vq_loss = codebook_loss + commit_loss
    return (z_q, vq_loss, idx)

if __name__ == "__main__":
    import jax
    _d = setup_inputs()
    print(jax.jit(kernel)(*tuple(_d.values())))

</pallas_src>

<mosaic_0001>
#map = affine_map<(d0, d1) -> (0, 0)>
module attributes {stable_mosaic.version = 14 : i64} {
  func.func @_sc_gather(%arg0: i32, %arg1: i32, %arg2: memref<65536x32xf32, #tpu.memory_space<hbm>>, %arg3: memref<512x128xi32, #tpu.memory_space<hbm>>, %arg4: memref<65536x32xf32, #tpu.memory_space<hbm>>, %arg5: memref<16x128xi32, #tpu.memory_space<vmem>>, %arg6: memref<2048x32xf32, #tpu.memory_space<vmem>>, %arg7: memref<!tpu.dma_semaphore, #tpu.memory_space<semaphore_mem>>) attributes {dimension_semantics = [#tpu.dimension_semantics<core_parallel>, #tpu.dimension_semantics<subcore_parallel>], iteration_bounds = array<i64: 2, 16>, scalar_prefetch = 0 : i64, scratch_operands = 3 : i64, tpu.core_type = #tpu.core_type<sc_vector_subcore>, window_params = [{transform_indices = #map}, {transform_indices = #map}, {transform_indices = #map}]} {
    %mul3A = arith.constant 2 : i32
    %mul3A_0 = arith.muli %arg1, %mul3A : i32
    %add3A = arith.addi %mul3A_0, %arg0 : i32
    %mul3A_1 = arith.constant 16 : i32
    %mul3A_2 = arith.muli %add3A, %mul3A_1 : i32
    "tpu.region"() ({
      %run_scoped3A = tpu.sem_alloc : memref<!tpu.dma_semaphore, #tpu.memory_space<semaphore_mem>>
      %dma_start3A_323 = arith.constant 0 : i32
      %dma_start3A_324 = tpu.memref_slice %arg3[%mul3A_2, %dma_start3A_323] : memref<512x128xi32, #tpu.memory_space<hbm>> -> memref<16x128xi32, #tpu.memory_space<hbm>>
      %dma_start3A_325 = arith.constant 0 : i32
      %dma_start3A_326 = tpu.memref_slice %arg3[%mul3A_2, %dma_start3A_325] : memref<512x128xi32, #tpu.memory_space<hbm>> -> memref<16x128xi32, #tpu.memory_space<hbm>>
      tpu.enqueue_dma source(%dma_start3A_326 : memref<16x128xi32, #tpu.memory_space<hbm>>) target(%arg5 : memref<16x128xi32, #tpu.memory_space<vmem>>) target_semaphore(%run_scoped3A : memref<!tpu.dma_semaphore, #tpu.memory_space<semaphore_mem>>)
      %dma_wait3A_327 = arith.constant 0 : i32
      %dma_wait3A_328 = tpu.memref_slice %arg3[%mul3A_2, %dma_wait3A_327] : memref<512x128xi32, #tpu.memory_space<hbm>> -> memref<16x128xi32, #tpu.memory_space<hbm>>
      %dma_wait3A_329 = arith.constant 0 : i32
      %dma_wait3A_330 = tpu.memref_slice %arg3[%mul3A_2, %dma_wait3A_329] : memref<512x128xi32, #tpu.memory_space<hbm>> -> memref<16x128xi32, #tpu.memory_space<hbm>>
      tpu.wait_dma2 semaphore(%run_scoped3A : memref<!tpu.dma_semaphore, #tpu.memory_space<semaphore_mem>>) src(%dma_wait3A_330 : memref<16x128xi32, #tpu.memory_space<hbm>>) dst(%arg5 : memref<16x128xi32, #tpu.memory_space<vmem>>)
      tpu.yield
    }) : () -> ()
    %dma_start3A = arith.constant 0 : i32
    %dma_start3A_3 = arith.constant 0 : i32
    %dma_start3A_4 = arith.constant 0 : i32
    %dma_start3A_5 = tpu.memref_slice %arg6[%dma_start3A_3, %dma_start3A_4] : memref<2048x32xf32, #tpu.memory_space<vmem>> -> memref<128x32xf32, #tpu.memory_space<vmem>>
    %dma_start3A_6 = arith.constant 0 : i32
    %dma_start3A_7 = tpu.memref_slice %arg5[%dma_start3A, %dma_start3A_6] : memref<16x128xi32, #tpu.memory_space<vmem>> -> memref<1x128xi32, #tpu.memory_space<vmem>>
    %dma_start3A_8 = tpu.memref_squeeze %dma_start3A_7 : memref<1x128xi32, #tpu.memory_space<vmem>> -> memref<128xi32, #tpu.memory_space<vmem>>
    %dma_start3A_9 = arith.constant 0 : i32
    %dma_start3A_10 = arith.constant 0 : i32
    %dma_start3A_11 = tpu.memref_slice %arg2[%dma_start3A_9, %dma_start3A_10] : memref<65536x32xf32, #tpu.memory_space<hbm>> -> memref<65536x32xf32, #tpu.memory_space<hbm>>
    tpu.enqueue_indirect_dma source(%dma_start3A_11 : memref<65536x32xf32, #tpu.memory_space<hbm>>) target(%dma_start3A_5 : memref<128x32xf32, #tpu.memory_space<vmem>>) offsets(%dma_start3A_8 : memref<128xi32, #tpu.memory_space<vmem>>) semaphore(%arg7 : memref<!tpu.dma_semaphore, #tpu.memory_space<semaphore_mem>>)
    %dma_start3A_12 = arith.constant 1 : i32
    %dma_start3A_13 = arith.constant 128 : i32
    %dma_start3A_14 = arith.constant 0 : i32
    %dma_start3A_15 = tpu.memref_slice %arg6[%dma_start3A_13, %dma_start3A_14] : memref<2048x32xf32, #tpu.memory_space<vmem>> -> memref<128x32xf32, #tpu.memory_space<vmem>>
    %dma_start3A_16 = arith.constant 0 : i32
    %dma_start3A_17 = tpu.memref_slice %arg5[%dma_start3A_12, %dma_start3A_16] : memref<16x128xi32, #tpu.memory_space<vmem>> -> memref<1x128xi32, #tpu.memory_space<vmem>>
    %dma_start3A_18 = tpu.memref_squeeze %dma_start3A_17 : memref<1x128xi32, #tpu.memory_space<vmem>> -> memref<128xi32, #tpu.memory_space<vmem>>
    %dma_start3A_19 = arith.constant 0 : i32
    %dma_start3A_20 = arith.constant 0 : i32
    %dma_start3A_21 = tpu.memref_slice %arg2[%dma_start3A_19, %dma_start3A_20] : memref<65536x32xf32, #tpu.memory_space<hbm>> -> memref<65536x32xf32, #tpu.memory_space<hbm>>
    tpu.enqueue_indirect_dma source(%dma_start3A_21 : memref<65536x32xf32, #tpu.memory_space<hbm>>) target(%dma_start3A_15 : memref<128x32xf32, #tpu.memory_space<vmem>>) offsets(%dma_start3A_18 : memref<128xi32, #tpu.memory_space<vmem>>) semaphore(%arg7 : memref<!tpu.dma_semaphore, #tpu.memory_space<semaphore_mem>>)
    %dma_start3A_22 = arith.constant 2 : i32
    %dma_start3A_23 = arith.constant 256 : i32
    %dma_start3A_24 = arith.constant 0 : i32
    %dma_start3A_25 = tpu.memref_slice %arg6[%dma_start3A_23, %dma_start3A_24] : memref<2048x32xf32, #tpu.memory_space<vmem>> -> memref<128x32xf32, #tpu.memory_space<vmem>>
    %dma_start3A_26 = arith.constant 0 : i32
    %dma_start3A_27 = tpu.memref_slice %arg5[%dma_start3A_22, %dma_start3A_26] : memref<16x128xi32, #tpu.memory_space<vmem>> -> memref<1x128xi32, #tpu.memory_space<vmem>>
    %dma_start3A_28 = tpu.memref_squeeze %dma_start3A_27 : memref<1x128xi32, #tpu.memory_space<vmem>> -> memref<128xi32, #tpu.memory_space<vmem>>
    %dma_start3A_29 = arith.constant 0 : i32
    %dma_start3A_30 = arith.constant 0 : i32
    %dma_start3A_31 = tpu.memref_slice %arg2[%dma_start3A_29, %dma_start3A_30] : memref<65536x32xf32, #tpu.memory_space<hbm>> -> memref<65536x32xf32, #tpu.memory_space<hbm>>
    tpu.enqueue_indirect_dma source(%dma_start3A_31 : memref<65536x32xf32, #tpu.memory_space<hbm>>) target(%dma_start3A_25 : memref<128x32xf32, #tpu.memory_space<vmem>>) offsets(%dma_start3A_28 : memref<128xi32, #tpu.memory_space<vmem>>) semaphore(%arg7 : memref<!tpu.dma_semaphore, #tpu.memory_space<semaphore_mem>>)
    %dma_start3A_32 = arith.constant 3 : i32
    %dma_start3A_33 = arith.constant 384 : i32
    %dma_start3A_34 = arith.constant 0 : i32
    %dma_start3A_35 = tpu.memref_slice %arg6[%dma_start3A_33, %dma_start3A_34] : memref<2048x32xf32, #tpu.memory_space<vmem>> -> memref<128x32xf32, #tpu.memory_space<vmem>>
    %dma_start3A_36 = arith.constant 0 : i32
    %dma_start3A_37 = tpu.memref_slice %arg5[%dma_start3A_32, %dma_start3A_36] : memref<16x128xi32, #tpu.memory_space<vmem>> -> memref<1x128xi32, #tpu.memory_space<vmem>>
    %dma_start3A_38 = tpu.memref_squeeze %dma_start3A_37 : memref<1x128xi32, #tpu.memory_space<vmem>> -> memref<128xi32, #tpu.memory_space<vmem>>
    %dma_start3A_39 = arith.constant 0 : i32
    %dma_start3A_40 = arith.constant 0 : i32
    %dma_start3A_41 = tpu.memref_slice %arg2[%dma_start3A_39, %dma_start3A_40] : memref<65536x32xf32, #tpu.memory_space<hbm>> -> memref<65536x32xf32, #tpu.memory_space<hbm>>
    tpu.enqueue_indirect_dma source(%dma_start3A_41 : memref<65536x32xf32, #tpu.memory_space<hbm>>) target(%dma_start3A_35 : memref<128x32xf32, #tpu.memory_space<vmem>>) offsets(%dma_start3A_38 : memref<128xi32, #tpu.memory_space<vmem>>) semaphore(%arg7 : memref<!tpu.dma_semaphore, #tpu.memory_space<semaphore_mem>>)
    %dma_start3A_42 = arith.constant 4 : i32
    %dma_start3A_43 = arith.constant 512 : i32
    %dma_start3A_44 = arith.constant 0 : i32
    %dma_start3A_45 = tpu.memref_slice %arg6[%dma_start3A_43, %dma_start3A_44] : memref<2048x32xf32, #tpu.memory_space<vmem>> -> memref<128x32xf32, #tpu.memory_space<vmem>>
    %dma_start3A_46 = arith.constant 0 : i32
    %dma_start3A_47 = tpu.memref_slice %arg5[%dma_start3A_42, %dma_start3A_46] : memref<16x128xi32, #tpu.memory_space<vmem>> -> memref<1x128xi32, #tpu.memory_space<vmem>>
    %dma_start3A_48 = tpu.memref_squeeze %dma_start3A_47 : memref<1x128xi32, #tpu.memory_space<vmem>> -> memref<128xi32, #tpu.memory_space<vmem>>
    %dma_start3A_49 = arith.constant 0 : i32
    %dma_start3A_50 = arith.constant 0 : i32
    %dma_start3A_51 = tpu.memref_slice %arg2[%dma_start3A_49, %dma_start3A_50] : memref<65536x32xf32, #tpu.memory_space<hbm>> -> memref<65536x32xf32, #tpu.memory_space<hbm>>
    tpu.enqueue_indirect_dma source(%dma_start3A_51 : memref<65536x32xf32, #tpu.memory_space<hbm>>) target(%dma_start3A_45 : memref<128x32xf32, #tpu.memory_space<vmem>>) offsets(%dma_start3A_48 : memref<128xi32, #tpu.memory_space<vmem>>) semaphore(%arg7 : memref<!tpu.dma_semaphore, #tpu.memory_space<semaphore_mem>>)
    %dma_start3A_52 = arith.constant 5 : i32
    %dma_start3A_53 = arith.constant 640 : i32
    %dma_start3A_54 = arith.constant 0 : i32
    %dma_start3A_55 = tpu.memref_slice %arg6[%dma_start3A_53, %dma_start3A_54] : memref<2048x32xf32, #tpu.memory_space<vmem>> -> memref<128x32xf32, #tpu.memory_space<vmem>>
    %dma_start3A_56 = arith.constant 0 : i32
    %dma_start3A_57 = tpu.memref_slice %arg5[%dma_start3A_52, %dma_start3A_56] : memref<16x128xi32, #tpu.memory_space<vmem>> -> memref<1x128xi32, #tpu.memory_space<vmem>>
    %dma_start3A_58 = tpu.memref_squeeze %dma_start3A_57 : memref<1x128xi32, #tpu.memory_space<vmem>> -> memref<128xi32, #tpu.memory_space<vmem>>
    %dma_start3A_59 = arith.constant 0 : i32
    %dma_start3A_60 = arith.constant 0 : i32
    %dma_start3A_61 = tpu.memref_slice %arg2[%dma_start3A_59, %dma_start3A_60] : memref<65536x32xf32, #tpu.memory_space<hbm>> -> memref<65536x32xf32, #tpu.memory_space<hbm>>
    tpu.enqueue_indirect_dma source(%dma_start3A_61 : memref<65536x32xf32, #tpu.memory_space<hbm>>) target(%dma_start3A_55 : memref<128x32xf32, #tpu.memory_space<vmem>>) offsets(%dma_start3A_58 : memref<128xi32, #tpu.memory_space<vmem>>) semaphore(%arg7 : memref<!tpu.dma_semaphore, #tpu.memory_space<semaphore_mem>>)
    %dma_start3A_62 = arith.constant 6 : i32
    %dma_start3A_63 = arith.constant 768 : i32
    %dma_start3A_64 = arith.constant 0 : i32
    %dma_start3A_65 = tpu.memref_slice %arg6[%dma_start3A_63, %dma_start3A_64] : memref<2048x32xf32, #tpu.memory_space<vmem>> -> memref<128x32xf32, #tpu.memory_space<vmem>>
    %dma_start3A_66 = arith.constant 0 : i32
    %dma_start3A_67 = tpu.memref_slice %arg5[%dma_start3A_62, %dma_start3A_66] : memref<16x128xi32, #tpu.memory_space<vmem>> -> memref<1x128xi32, #tpu.memory_space<vmem>>
    %dma_start3A_68 = tpu.memref_squeeze %dma_start3A_67 : memref<1x128xi32, #tpu.memory_space<vmem>> -> memref<128xi32, #tpu.memory_space<vmem>>
    %dma_start3A_69 = arith.constant 0 : i32
    %dma_start3A_70 = arith.constant 0 : i32
    %dma_start3A_71 = tpu.memref_slice %arg2[%dma_start3A_69, %dma_start3A_70] : memref<65536x32xf32, #tpu.memory_space<hbm>> -> memref<65536x32xf32, #tpu.memory_space<hbm>>
    tpu.enqueue_indirect_dma source(%dma_start3A_71 : memref<65536x32xf32, #tpu.memory_space<hbm>>) target(%dma_start3A_65 : memref<128x32xf32, #tpu.memory_space<vmem>>) offsets(%dma_start3A_68 : memref<128xi32, #tpu.memory_space<vmem>>) semaphore(%arg7 : memref<!tpu.dma_semaphore, #tpu.memory_space<semaphore_mem>>)
    %dma_start3A_72 = arith.constant 7 : i32
    %dma_start3A_73 = arith.constant 896 : i32
    %dma_start3A_74 = arith.constant 0 : i32
    %dma_start3A_75 = tpu.memref_slice %arg6[%dma_start3A_73, %dma_start3A_74] : memref<2048x32xf32, #tpu.memory_space<vmem>> -> memref<128x32xf32, #tpu.memory_space<vmem>>
    %dma_start3A_76 = arith.constant 0 : i32
    %dma_start3A_77 = tpu.memref_slice %arg5[%dma_start3A_72, %dma_start3A_76] : memref<16x128xi32, #tpu.memory_space<vmem>> -> memref<1x128xi32, #tpu.memory_space<vmem>>
    %dma_start3A_78 = tpu.memref_squeeze %dma_start3A_77 : memref<1x128xi32, #tpu.memory_space<vmem>> -> memref<128xi32, #tpu.memory_space<vmem>>
    %dma_start3A_79 = arith.constant 0 : i32
    %dma_start3A_80 = arith.constant 0 : i32
    %dma_start3A_81 = tpu.memref_slice %arg2[%dma_start3A_79, %dma_start3A_80] : memref<65536x32xf32, #tpu.memory_space<hbm>> -> memref<65536x32xf32, #tpu.memory_space<hbm>>
    tpu.enqueue_indirect_dma source(%dma_start3A_81 : memref<65536x32xf32, #tpu.memory_space<hbm>>) target(%dma_start3A_75 : memref<128x32xf32, #tpu.memory_space<vmem>>) offsets(%dma_start3A_78 : memref<128xi32, #tpu.memory_space<vmem>>) semaphore(%arg7 : memref<!tpu.dma_semaphore, #tpu.memory_space<semaphore_mem>>)
    %dma_start3A_82 = arith.constant 8 : i32
    %dma_start3A_83 = arith.constant 1024 : i32
    %dma_start3A_84 = arith.constant 0 : i32
    %dma_start3A_85 = tpu.memref_slice %arg6[%dma_start3A_83, %dma_start3A_84] : memref<2048x32xf32, #tpu.memory_space<vmem>> -> memref<128x32xf32, #tpu.memory_space<vmem>>
    %dma_start3A_86 = arith.constant 0 : i32
    %dma_start3A_87 = tpu.memref_slice %arg5[%dma_start3A_82, %dma_start3A_86] : memref<16x128xi32, #tpu.memory_space<vmem>> -> memref<1x128xi32, #tpu.memory_space<vmem>>
    %dma_start3A_88 = tpu.memref_squeeze %dma_start3A_87 : memref<1x128xi32, #tpu.memory_space<vmem>> -> memref<128xi32, #tpu.memory_space<vmem>>
    %dma_start3A_89 = arith.constant 0 : i32
    %dma_start3A_90 = arith.constant 0 : i32
    %dma_start3A_91 = tpu.memref_slice %arg2[%dma_start3A_89, %dma_start3A_90] : memref<65536x32xf32, #tpu.memory_space<hbm>> -> memref<65536x32xf32, #tpu.memory_space<hbm>>
    tpu.enqueue_indirect_dma source(%dma_start3A_91 : memref<65536x32xf32, #tpu.memory_space<hbm>>) target(%dma_start3A_85 : memref<128x32xf32, #tpu.memory_space<vmem>>) offsets(%dma_start3A_88 : memref<128xi32, #tpu.memory_space<vmem>>) semaphore(%arg7 : memref<!tpu.dma_semaphore, #tpu.memory_space<semaphore_mem>>)
    %dma_start3A_92 = arith.constant 9 : i32
    %dma_start3A_93 = arith.constant 1152 : i32
    %dma_start3A_94 = arith.constant 0 : i32
    %dma_start3A_95 = tpu.memref_slice %arg6[%dma_start3A_93, %dma_start3A_94] : memref<2048x32xf32, #tpu.memory_space<vmem>> -> memref<128x32xf32, #tpu.memory_space<vmem>>
    %dma_start3A_96 = arith.constant 0 : i32
    %dma_start3A_97 = tpu.memref_slice %arg5[%dma_start3A_92, %dma_start3A_96] : memref<16x128xi32, #tpu.memory_space<vmem>> -> memref<1x128xi32, #tpu.memory_space<vmem>>
    %dma_start3A_98 = tpu.memref_squeeze %dma_start3A_97 : memref<1x128xi32, #tpu.memory_space<vmem>> -> memref<128xi32, #tpu.memory_space<vmem>>
    %dma_start3A_99 = arith.constant 0 : i32
    %dma_start3A_100 = arith.constant 0 : i32
    %dma_start3A_101 = tpu.memref_slice %arg2[%dma_start3A_99, %dma_start3A_100] : memref<65536x32xf32, #tpu.memory_space<hbm>> -> memref<65536x32xf32, #tpu.memory_space<hbm>>
    tpu.enqueue_indirect_dma source(%dma_start3A_101 : memref<65536x32xf32, #tpu.memory_space<hbm>>) target(%dma_start3A_95 : memref<128x32xf32, #tpu.memory_space<vmem>>) offsets(%dma_start3A_98 : memref<128xi32, #tpu.memory_space<vmem>>) semaphore(%arg7 : memref<!tpu.dma_semaphore, #tpu.memory_space<semaphore_mem>>)
    %dma_start3A_102 = arith.constant 10 : i32
    %dma_start3A_103 = arith.constant 1280 : i32
    %dma_start3A_104 = arith.constant 0 : i32
    %dma_start3A_105 = tpu.memref_slice %arg6[%dma_start3A_103, %dma_start3A_104] : memref<2048x32xf32, #tpu.memory_space<vmem>> -> memref<128x32xf32, #tpu.memory_space<vmem>>
    %dma_start3A_106 = arith.constant 0 : i32
    %dma_start3A_107 = tpu.memref_slice %arg5[%dma_start3A_102, %dma_start3A_106] : memref<16x128xi32, #tpu.memory_space<vmem>> -> memref<1x128xi32, #tpu.memory_space<vmem>>
    %dma_start3A_108 = tpu.memref_squeeze %dma_start3A_107 : memref<1x128xi32, #tpu.memory_space<vmem>> -> memref<128xi32, #tpu.memory_space<vmem>>
    %dma_start3A_109 = arith.constant 0 : i32
    %dma_start3A_110 = arith.constant 0 : i32
    %dma_start3A_111 = tpu.memref_slice %arg2[%dma_start3A_109, %dma_start3A_110] : memref<65536x32xf32, #tpu.memory_space<hbm>> -> memref<65536x32xf32, #tpu.memory_space<hbm>>
    tpu.enqueue_indirect_dma source(%dma_start3A_111 : memref<65536x32xf32, #tpu.memory_space<hbm>>) target(%dma_start3A_105 : memref<128x32xf32, #tpu.memory_space<vmem>>) offsets(%dma_start3A_108 : memref<128xi32, #tpu.memory_space<vmem>>) semaphore(%arg7 : memref<!tpu.dma_semaphore, #tpu.memory_space<semaphore_mem>>)
    %dma_start3A_112 = arith.constant 11 : i32
    %dma_start3A_113 = arith.constant 1408 : i32
    %dma_start3A_114 = arith.constant 0 : i32
    %dma_start3A_115 = tpu.memref_slice %arg6[%dma_start3A_113, %dma_start3A_114] : memref<2048x32xf32, #tpu.memory_space<vmem>> -> memref<128x32xf32, #tpu.memory_space<vmem>>
    %dma_start3A_116 = arith.constant 0 : i32
    %dma_start3A_117 = tpu.memref_slice %arg5[%dma_start3A_112, %dma_start3A_116] : memref<16x128xi32, #tpu.memory_space<vmem>> -> memref<1x128xi32, #tpu.memory_space<vmem>>
    %dma_start3A_118 = tpu.memref_squeeze %dma_start3A_117 : memref<1x128xi32, #tpu.memory_space<vmem>> -> memref<128xi32, #tpu.memory_space<vmem>>
    %dma_start3A_119 = arith.constant 0 : i32
    %dma_start3A_120 = arith.constant 0 : i32
    %dma_start3A_121 = tpu.memref_slice %arg2[%dma_start3A_119, %dma_start3A_120] : memref<65536x32xf32, #tpu.memory_space<hbm>> -> memref<65536x32xf32, #tpu.memory_space<hbm>>
    tpu.enqueue_indirect_dma source(%dma_start3A_121 : memref<65536x32xf32, #tpu.memory_space<hbm>>) target(%dma_start3A_115 : memref<128x32xf32, #tpu.memory_space<vmem>>) offsets(%dma_start3A_118 : memref<128xi32, #tpu.memory_space<vmem>>) semaphore(%arg7 : memref<!tpu.dma_semaphore, #tpu.memory_space<semaphore_mem>>)
    %dma_start3A_122 = arith.constant 12 : i32
    %dma_start3A_123 = arith.constant 1536 : i32
    %dma_start3A_124 = arith.constant 0 : i32
    %dma_start3A_125 = tpu.memref_slice %arg6[%dma_start3A_123, %dma_start3A_124] : memref<2048x32xf32, #tpu.memory_space<vmem>> -> memref<128x32xf32, #tpu.memory_space<vmem>>
    %dma_start3A_126 = arith.constant 0 : i32
    %dma_start3A_127 = tpu.memref_slice %arg5[%dma_start3A_122, %dma_start3A_126] : memref<16x128xi32, #tpu.memory_space<vmem>> -> memref<1x128xi32, #tpu.memory_space<vmem>>
    %dma_start3A_128 = tpu.memref_squeeze %dma_start3A_127 : memref<1x128xi32, #tpu.memory_space<vmem>> -> memref<128xi32, #tpu.memory_space<vmem>>
    %dma_start3A_129 = arith.constant 0 : i32
    %dma_start3A_130 = arith.constant 0 : i32
    %dma_start3A_131 = tpu.memref_slice %arg2[%dma_start3A_129, %dma_start3A_130] : memref<65536x32xf32, #tpu.memory_space<hbm>> -> memref<65536x32xf32, #tpu.memory_space<hbm>>
    tpu.enqueue_indirect_dma source(%dma_start3A_131 : memref<65536x32xf32, #tpu.memory_space<hbm>>) target(%dma_start3A_125 : memref<128x32xf32, #tpu.memory_space<vmem>>) offsets(%dma_start3A_128 : memref<128xi32, #tpu.memory_space<vmem>>) semaphore(%arg7 : memref<!tpu.dma_semaphore, #tpu.memory_space<semaphore_mem>>)
    %dma_start3A_132 = arith.constant 13 : i32
    %dma_start3A_133 = arith.constant 1664 : i32
    %dma_start3A_134 = arith.constant 0 : i32
    %dma_start3A_135 = tpu.memref_slice %arg6[%dma_start3A_133, %dma_start3A_134] : memref<2048x32xf32, #tpu.memory_space<vmem>> -> memref<128x32xf32, #tpu.memory_space<vmem>>
    %dma_start3A_136 = arith.constant 0 : i32
    %dma_start3A_137 = tpu.memref_slice %arg5[%dma_start3A_132, %dma_start3A_136] : memref<16x128xi32, #tpu.memory_space<vmem>> -> memref<1x128xi32, #tpu.memory_space<vmem>>
    %dma_start3A_138 = tpu.memref_squeeze %dma_start3A_137 : memref<1x128xi32, #tpu.memory_space<vmem>> -> memref<128xi32, #tpu.memory_space<vmem>>
    %dma_start3A_139 = arith.constant 0 : i32
    %dma_start3A_140 = arith.constant 0 : i32
    %dma_start3A_141 = tpu.memref_slice %arg2[%dma_start3A_139, %dma_start3A_140] : memref<65536x32xf32, #tpu.memory_space<hbm>> -> memref<65536x32xf32, #tpu.memory_space<hbm>>
    tpu.enqueue_indirect_dma source(%dma_start3A_141 : memref<65536x32xf32, #tpu.memory_space<hbm>>) target(%dma_start3A_135 : memref<128x32xf32, #tpu.memory_space<vmem>>) offsets(%dma_start3A_138 : memref<128xi32, #tpu.memory_space<vmem>>) semaphore(%arg7 : memref<!tpu.dma_semaphore, #tpu.memory_space<semaphore_mem>>)
    %dma_start3A_142 = arith.constant 14 : i32
    %dma_start3A_143 = arith.constant 1792 : i32
    %dma_start3A_144 = arith.constant 0 : i32
    %dma_start3A_145 = tpu.memref_slice %arg6[%dma_start3A_143, %dma_start3A_144] : memref<2048x32xf32, #tpu.memory_space<vmem>> -> memref<128x32xf32, #tpu.memory_space<vmem>>
    %dma_start3A_146 = arith.constant 0 : i32
    %dma_start3A_147 = tpu.memref_slice %arg5[%dma_start3A_142, %dma_start3A_146] : memref<16x128xi32, #tpu.memory_space<vmem>> -> memref<1x128xi32, #tpu.memory_space<vmem>>
    %dma_start3A_148 = tpu.memref_squeeze %dma_start3A_147 : memref<1x128xi32, #tpu.memory_space<vmem>> -> memref<128xi32, #tpu.memory_space<vmem>>
    %dma_start3A_149 = arith.constant 0 : i32
    %dma_start3A_150 = arith.constant 0 : i32
    %dma_start3A_151 = tpu.memref_slice %arg2[%dma_start3A_149, %dma_start3A_150] : memref<65536x32xf32, #tpu.memory_space<hbm>> -> memref<65536x32xf32, #tpu.memory_space<hbm>>
    tpu.enqueue_indirect_dma source(%dma_start3A_151 : memref<65536x32xf32, #tpu.memory_space<hbm>>) target(%dma_start3A_145 : memref<128x32xf32, #tpu.memory_space<vmem>>) offsets(%dma_start3A_148 : memref<128xi32, #tpu.memory_space<vmem>>) semaphore(%arg7 : memref<!tpu.dma_semaphore, #tpu.memory_space<semaphore_mem>>)
    %dma_start3A_152 = arith.constant 15 : i32
    %dma_start3A_153 = arith.constant 1920 : i32
    %dma_start3A_154 = arith.constant 0 : i32
    %dma_start3A_155 = tpu.memref_slice %arg6[%dma_start3A_153, %dma_start3A_154] : memref<2048x32xf32, #tpu.memory_space<vmem>> -> memref<128x32xf32, #tpu.memory_space<vmem>>
    %dma_start3A_156 = arith.constant 0 : i32
    %dma_start3A_157 = tpu.memref_slice %arg5[%dma_start3A_152, %dma_start3A_156] : memref<16x128xi32, #tpu.memory_space<vmem>> -> memref<1x128xi32, #tpu.memory_space<vmem>>
    %dma_start3A_158 = tpu.memref_squeeze %dma_start3A_157 : memref<1x128xi32, #tpu.memory_space<vmem>> -> memref<128xi32, #tpu.memory_space<vmem>>
    %dma_start3A_159 = arith.constant 0 : i32
    %dma_start3A_160 = arith.constant 0 : i32
    %dma_start3A_161 = tpu.memref_slice %arg2[%dma_start3A_159, %dma_start3A_160] : memref<65536x32xf32, #tpu.memory_space<hbm>> -> memref<65536x32xf32, #tpu.memory_space<hbm>>
    tpu.enqueue_indirect_dma source(%dma_start3A_161 : memref<65536x32xf32, #tpu.memory_space<hbm>>) target(%dma_start3A_155 : memref<128x32xf32, #tpu.memory_space<vmem>>) offsets(%dma_start3A_158 : memref<128xi32, #tpu.memory_space<vmem>>) semaphore(%arg7 : memref<!tpu.dma_semaphore, #tpu.memory_space<semaphore_mem>>)
    %dma_wait3A = arith.constant 0 : i32
    %dma_wait3A_162 = arith.constant 0 : i32
    %dma_wait3A_163 = arith.constant 0 : i32
    %dma_wait3A_164 = tpu.memref_slice %arg6[%dma_wait3A_162, %dma_wait3A_163] : memref<2048x32xf32, #tpu.memory_space<vmem>> -> memref<128x32xf32, #tpu.memory_space<vmem>>
    %dma_wait3A_165 = arith.constant 0 : i32
    %dma_wait3A_166 = tpu.memref_slice %arg5[%dma_wait3A, %dma_wait3A_165] : memref<16x128xi32, #tpu.memory_space<vmem>> -> memref<1x128xi32, #tpu.memory_space<vmem>>
    %dma_wait3A_167 = tpu.memref_squeeze %dma_wait3A_166 : memref<1x128xi32, #tpu.memory_space<vmem>> -> memref<128xi32, #tpu.memory_space<vmem>>
    %dma_wait3A_168 = arith.constant 0 : i32
    %dma_wait3A_169 = arith.constant 0 : i32
    %dma_wait3A_170 = tpu.memref_slice %arg2[%dma_wait3A_168, %dma_wait3A_169] : memref<65536x32xf32, #tpu.memory_space<hbm>> -> memref<65536x32xf32, #tpu.memory_space<hbm>>
    tpu.wait_indirect_dma semaphore(%arg7 : memref<!tpu.dma_semaphore, #tpu.memory_space<semaphore_mem>>) src(%dma_wait3A_170 : memref<65536x32xf32, #tpu.memory_space<hbm>>) dst(%dma_wait3A_164 : memref<128x32xf32, #tpu.memory_space<vmem>>)
    %dma_wait3A_171 = arith.constant 1 : i32
    %dma_wait3A_172 = arith.constant 128 : i32
    %dma_wait3A_173 = arith.constant 0 : i32
    %dma_wait3A_174 = tpu.memref_slice %arg6[%dma_wait3A_172, %dma_wait3A_173] : memref<2048x32xf32, #tpu.memory_space<vmem>> -> memref<128x32xf32, #tpu.memory_space<vmem>>
    %dma_wait3A_175 = arith.constant 0 : i32
    %dma_wait3A_176 = tpu.memref_slice %arg5[%dma_wait3A_171, %dma_wait3A_175] : memref<16x128xi32, #tpu.memory_space<vmem>> -> memref<1x128xi32, #tpu.memory_space<vmem>>
    %dma_wait3A_177 = tpu.memref_squeeze %dma_wait3A_176 : memref<1x128xi32, #tpu.memory_space<vmem>> -> memref<128xi32, #tpu.memory_space<vmem>>
    %dma_wait3A_178 = arith.constant 0 : i32
    %dma_wait3A_179 = arith.constant 0 : i32
    %dma_wait3A_180 = tpu.memref_slice %arg2[%dma_wait3A_178, %dma_wait3A_179] : memref<65536x32xf32, #tpu.memory_space<hbm>> -> memref<65536x32xf32, #tpu.memory_space<hbm>>
    tpu.wait_indirect_dma semaphore(%arg7 : memref<!tpu.dma_semaphore, #tpu.memory_space<semaphore_mem>>) src(%dma_wait3A_180 : memref<65536x32xf32, #tpu.memory_space<hbm>>) dst(%dma_wait3A_174 : memref<128x32xf32, #tpu.memory_space<vmem>>)
    %dma_wait3A_181 = arith.constant 2 : i32
    %dma_wait3A_182 = arith.constant 256 : i32
    %dma_wait3A_183 = arith.constant 0 : i32
    %dma_wait3A_184 = tpu.memref_slice %arg6[%dma_wait3A_182, %dma_wait3A_183] : memref<2048x32xf32, #tpu.memory_space<vmem>> -> memref<128x32xf32, #tpu.memory_space<vmem>>
    %dma_wait3A_185 = arith.constant 0 : i32
    %dma_wait3A_186 = tpu.memref_slice %arg5[%dma_wait3A_181, %dma_wait3A_185] : memref<16x128xi32, #tpu.memory_space<vmem>> -> memref<1x128xi32, #tpu.memory_space<vmem>>
    %dma_wait3A_187 = tpu.memref_squeeze %dma_wait3A_186 : memref<1x128xi32, #tpu.memory_space<vmem>> -> memref<128xi32, #tpu.memory_space<vmem>>
    %dma_wait3A_188 = arith.constant 0 : i32
    %dma_wait3A_189 = arith.constant 0 : i32
    %dma_wait3A_190 = tpu.memref_slice %arg2[%dma_wait3A_188, %dma_wait3A_189] : memref<65536x32xf32, #tpu.memory_space<hbm>> -> memref<65536x32xf32, #tpu.memory_space<hbm>>
    tpu.wait_indirect_dma semaphore(%arg7 : memref<!tpu.dma_semaphore, #tpu.memory_space<semaphore_mem>>) src(%dma_wait3A_190 : memref<65536x32xf32, #tpu.memory_space<hbm>>) dst(%dma_wait3A_184 : memref<128x32xf32, #tpu.memory_space<vmem>>)
    %dma_wait3A_191 = arith.constant 3 : i32
    %dma_wait3A_192 = arith.constant 384 : i32
    %dma_wait3A_193 = arith.constant 0 : i32
    %dma_wait3A_194 = tpu.memref_slice %arg6[%dma_wait3A_192, %dma_wait3A_193] : memref<2048x32xf32, #tpu.memory_space<vmem>> -> memref<128x32xf32, #tpu.memory_space<vmem>>
    %dma_wait3A_195 = arith.constant 0 : i32
    %dma_wait3A_196 = tpu.memref_slice %arg5[%dma_wait3A_191, %dma_wait3A_195] : memref<16x128xi32, #tpu.memory_space<vmem>> -> memref<1x128xi32, #tpu.memory_space<vmem>>
    %dma_wait3A_197 = tpu.memref_squeeze %dma_wait3A_196 : memref<1x128xi32, #tpu.memory_space<vmem>> -> memref<128xi32, #tpu.memory_space<vmem>>
    %dma_wait3A_198 = arith.constant 0 : i32
    %dma_wait3A_199 = arith.constant 0 : i32
    %dma_wait3A_200 = tpu.memref_slice %arg2[%dma_wait3A_198, %dma_wait3A_199] : memref<65536x32xf32, #tpu.memory_space<hbm>> -> memref<65536x32xf32, #tpu.memory_space<hbm>>
    tpu.wait_indirect_dma semaphore(%arg7 : memref<!tpu.dma_semaphore, #tpu.memory_space<semaphore_mem>>) src(%dma_wait3A_200 : memref<65536x32xf32, #tpu.memory_space<hbm>>) dst(%dma_wait3A_194 : memref<128x32xf32, #tpu.memory_space<vmem>>)
    %dma_wait3A_201 = arith.constant 4 : i32
    %dma_wait3A_202 = arith.constant 512 : i32
    %dma_wait3A_203 = arith.constant 0 : i32
    %dma_wait3A_204 = tpu.memref_slice %arg6[%dma_wait3A_202, %dma_wait3A_203] : memref<2048x32xf32, #tpu.memory_space<vmem>> -> memref<128x32xf32, #tpu.memory_space<vmem>>
    %dma_wait3A_205 = arith.constant 0 : i32
    %dma_wait3A_206 = tpu.memref_slice %arg5[%dma_wait3A_201, %dma_wait3A_205] : memref<16x128xi32, #tpu.memory_space<vmem>> -> memref<1x128xi32, #tpu.memory_space<vmem>>
    %dma_wait3A_207 = tpu.memref_squeeze %dma_wait3A_206 : memref<1x128xi32, #tpu.memory_space<vmem>> -> memref<128xi32, #tpu.memory_space<vmem>>
    %dma_wait3A_208 = arith.constant 0 : i32
    %dma_wait3A_209 = arith.constant 0 : i32
    %dma_wait3A_210 = tpu.memref_slice %arg2[%dma_wait3A_208, %dma_wait3A_209] : memref<65536x32xf32, #tpu.memory_space<hbm>> -> memref<65536x32xf32, #tpu.memory_space<hbm>>
    tpu.wait_indirect_dma semaphore(%arg7 : memref<!tpu.dma_semaphore, #tpu.memory_space<semaphore_mem>>) src(%dma_wait3A_210 : memref<65536x32xf32, #tpu.memory_space<hbm>>) dst(%dma_wait3A_204 : memref<128x32xf32, #tpu.memory_space<vmem>>)
    %dma_wait3A_211 = arith.constant 5 : i32
    %dma_wait3A_212 = arith.constant 640 : i32
    %dma_wait3A_213 = arith.constant 0 : i32
    %dma_wait3A_214 = tpu.memref_slice %arg6[%dma_wait3A_212, %dma_wait3A_213] : memref<2048x32xf32, #tpu.memory_space<vmem>> -> memref<128x32xf32, #tpu.memory_space<vmem>>
    %dma_wait3A_215 = arith.constant 0 : i32
    %dma_wait3A_216 = tpu.memref_slice %arg5[%dma_wait3A_211, %dma_wait3A_215] : memref<16x128xi32, #tpu.memory_space<vmem>> -> memref<1x128xi32, #tpu.memory_space<vmem>>
    %dma_wait3A_217 = tpu.memref_squeeze %dma_wait3A_216 : memref<1x128xi32, #tpu.memory_space<vmem>> -> memref<128xi32, #tpu.memory_space<vmem>>
    %dma_wait3A_218 = arith.constant 0 : i32
    %dma_wait3A_219 = arith.constant 0 : i32
    %dma_wait3A_220 = tpu.memref_slice %arg2[%dma_wait3A_218, %dma_wait3A_219] : memref<65536x32xf32, #tpu.memory_space<hbm>> -> memref<65536x32xf32, #tpu.memory_space<hbm>>
    tpu.wait_indirect_dma semaphore(%arg7 : memref<!tpu.dma_semaphore, #tpu.memory_space<semaphore_mem>>) src(%dma_wait3A_220 : memref<65536x32xf32, #tpu.memory_space<hbm>>) dst(%dma_wait3A_214 : memref<128x32xf32, #tpu.memory_space<vmem>>)
    %dma_wait3A_221 = arith.constant 6 : i32
    %dma_wait3A_222 = arith.constant 768 : i32
    %dma_wait3A_223 = arith.constant 0 : i32
    %dma_wait3A_224 = tpu.memref_slice %arg6[%dma_wait3A_222, %dma_wait3A_223] : memref<2048x32xf32, #tpu.memory_space<vmem>> -> memref<128x32xf32, #tpu.memory_space<vmem>>
    %dma_wait3A_225 = arith.constant 0 : i32
    %dma_wait3A_226 = tpu.memref_slice %arg5[%dma_wait3A_221, %dma_wait3A_225] : memref<16x128xi32, #tpu.memory_space<vmem>> -> memref<1x128xi32, #tpu.memory_space<vmem>>
    %dma_wait3A_227 = tpu.memref_squeeze %dma_wait3A_226 : memref<1x128xi32, #tpu.memory_space<vmem>> -> memref<128xi32, #tpu.memory_space<vmem>>
    %dma_wait3A_228 = arith.constant 0 : i32
    %dma_wait3A_229 = arith.constant 0 : i32
    %dma_wait3A_230 = tpu.memref_slice %arg2[%dma_wait3A_228, %dma_wait3A_229] : memref<65536x32xf32, #tpu.memory_space<hbm>> -> memref<65536x32xf32, #tpu.memory_space<hbm>>
    tpu.wait_indirect_dma semaphore(%arg7 : memref<!tpu.dma_semaphore, #tpu.memory_space<semaphore_mem>>) src(%dma_wait3A_230 : memref<65536x32xf32, #tpu.memory_space<hbm>>) dst(%dma_wait3A_224 : memref<128x32xf32, #tpu.memory_space<vmem>>)
    %dma_wait3A_231 = arith.constant 7 : i32
    %dma_wait3A_232 = arith.constant 896 : i32
    %dma_wait3A_233 = arith.constant 0 : i32
    %dma_wait3A_234 = tpu.memref_slice %arg6[%dma_wait3A_232, %dma_wait3A_233] : memref<2048x32xf32, #tpu.memory_space<vmem>> -> memref<128x32xf32, #tpu.memory_space<vmem>>
    %dma_wait3A_235 = arith.constant 0 : i32
    %dma_wait3A_236 = tpu.memref_slice %arg5[%dma_wait3A_231, %dma_wait3A_235] : memref<16x128xi32, #tpu.memory_space<vmem>> -> memref<1x128xi32, #tpu.memory_space<vmem>>
    %dma_wait3A_237 = tpu.memref_squeeze %dma_wait3A_236 : memref<1x128xi32, #tpu.memory_space<vmem>> -> memref<128xi32, #tpu.memory_space<vmem>>
    %dma_wait3A_238 = arith.constant 0 : i32
    %dma_wait3A_239 = arith.constant 0 : i32
    %dma_wait3A_240 = tpu.memref_slice %arg2[%dma_wait3A_238, %dma_wait3A_239] : memref<65536x32xf32, #tpu.memory_space<hbm>> -> memref<65536x32xf32, #tpu.memory_space<hbm>>
    tpu.wait_indirect_dma semaphore(%arg7 : memref<!tpu.dma_semaphore, #tpu.memory_space<semaphore_mem>>) src(%dma_wait3A_240 : memref<65536x32xf32, #tpu.memory_space<hbm>>) dst(%dma_wait3A_234 : memref<128x32xf32, #tpu.memory_space<vmem>>)
    %dma_wait3A_241 = arith.constant 8 : i32
    %dma_wait3A_242 = arith.constant 1024 : i32
    %dma_wait3A_243 = arith.constant 0 : i32
    %dma_wait3A_244 = tpu.memref_slice %arg6[%dma_wait3A_242, %dma_wait3A_243] : memref<2048x32xf32, #tpu.memory_space<vmem>> -> memref<128x32xf32, #tpu.memory_space<vmem>>
    %dma_wait3A_245 = arith.constant 0 : i32
    %dma_wait3A_246 = tpu.memref_slice %arg5[%dma_wait3A_241, %dma_wait3A_245] : memref<16x128xi32, #tpu.memory_space<vmem>> -> memref<1x128xi32, #tpu.memory_space<vmem>>
    %dma_wait3A_247 = tpu.memref_squeeze %dma_wait3A_246 : memref<1x128xi32, #tpu.memory_space<vmem>> -> memref<128xi32, #tpu.memory_space<vmem>>
    %dma_wait3A_248 = arith.constant 0 : i32
    %dma_wait3A_249 = arith.constant 0 : i32
    %dma_wait3A_250 = tpu.memref_slice %arg2[%dma_wait3A_248, %dma_wait3A_249] : memref<65536x32xf32, #tpu.memory_space<hbm>> -> memref<65536x32xf32, #tpu.memory_space<hbm>>
    tpu.wait_indirect_dma semaphore(%arg7 : memref<!tpu.dma_semaphore, #tpu.memory_space<semaphore_mem>>) src(%dma_wait3A_250 : memref<65536x32xf32, #tpu.memory_space<hbm>>) dst(%dma_wait3A_244 : memref<128x32xf32, #tpu.memory_space<vmem>>)
    %dma_wait3A_251 = arith.constant 9 : i32
    %dma_wait3A_252 = arith.constant 1152 : i32
    %dma_wait3A_253 = arith.constant 0 : i32
    %dma_wait3A_254 = tpu.memref_slice %arg6[%dma_wait3A_252, %dma_wait3A_253] : memref<2048x32xf32, #tpu.memory_space<vmem>> -> memref<128x32xf32, #tpu.memory_space<vmem>>
    %dma_wait3A_255 = arith.constant 0 : i32
    %dma_wait3A_256 = tpu.memref_slice %arg5[%dma_wait3A_251, %dma_wait3A_255] : memref<16x128xi32, #tpu.memory_space<vmem>> -> memref<1x128xi32, #tpu.memory_space<vmem>>
    %dma_wait3A_257 = tpu.memref_squeeze %dma_wait3A_256 : memref<1x128xi32, #tpu.memory_space<vmem>> -> memref<128xi32, #tpu.memory_space<vmem>>
    %dma_wait3A_258 = arith.constant 0 : i32
    %dma_wait3A_259 = arith.constant 0 : i32
    %dma_wait3A_260 = tpu.memref_slice %arg2[%dma_wait3A_258, %dma_wait3A_259] : memref<65536x32xf32, #tpu.memory_space<hbm>> -> memref<65536x32xf32, #tpu.memory_space<hbm>>
    tpu.wait_indirect_dma semaphore(%arg7 : memref<!tpu.dma_semaphore, #tpu.memory_space<semaphore_mem>>) src(%dma_wait3A_260 : memref<65536x32xf32, #tpu.memory_space<hbm>>) dst(%dma_wait3A_254 : memref<128x32xf32, #tpu.memory_space<vmem>>)
    %dma_wait3A_261 = arith.constant 10 : i32
    %dma_wait3A_262 = arith.constant 1280 : i32
    %dma_wait3A_263 = arith.constant 0 : i32
    %dma_wait3A_264 = tpu.memref_slice %arg6[%dma_wait3A_262, %dma_wait3A_263] : memref<2048x32xf32, #tpu.memory_space<vmem>> -> memref<128x32xf32, #tpu.memory_space<vmem>>
    %dma_wait3A_265 = arith.constant 0 : i32
    %dma_wait3A_266 = tpu.memref_slice %arg5[%dma_wait3A_261, %dma_wait3A_265] : memref<16x128xi32, #tpu.memory_space<vmem>> -> memref<1x128xi32, #tpu.memory_space<vmem>>
    %dma_wait3A_267 = tpu.memref_squeeze %dma_wait3A_266 : memref<1x128xi32, #tpu.memory_space<vmem>> -> memref<128xi32, #tpu.memory_space<vmem>>
    %dma_wait3A_268 = arith.constant 0 : i32
    %dma_wait3A_269 = arith.constant 0 : i32
    %dma_wait3A_270 = tpu.memref_slice %arg2[%dma_wait3A_268, %dma_wait3A_269] : memref<65536x32xf32, #tpu.memory_space<hbm>> -> memref<65536x32xf32, #tpu.memory_space<hbm>>
    tpu.wait_indirect_dma semaphore(%arg7 : memref<!tpu.dma_semaphore, #tpu.memory_space<semaphore_mem>>) src(%dma_wait3A_270 : memref<65536x32xf32, #tpu.memory_space<hbm>>) dst(%dma_wait3A_264 : memref<128x32xf32, #tpu.memory_space<vmem>>)
    %dma_wait3A_271 = arith.constant 11 : i32
    %dma_wait3A_272 = arith.constant 1408 : i32
    %dma_wait3A_273 = arith.constant 0 : i32
    %dma_wait3A_274 = tpu.memref_slice %arg6[%dma_wait3A_272, %dma_wait3A_273] : memref<2048x32xf32, #tpu.memory_space<vmem>> -> memref<128x32xf32, #tpu.memory_space<vmem>>
    %dma_wait3A_275 = arith.constant 0 : i32
    %dma_wait3A_276 = tpu.memref_slice %arg5[%dma_wait3A_271, %dma_wait3A_275] : memref<16x128xi32, #tpu.memory_space<vmem>> -> memref<1x128xi32, #tpu.memory_space<vmem>>
    %dma_wait3A_277 = tpu.memref_squeeze %dma_wait3A_276 : memref<1x128xi32, #tpu.memory_space<vmem>> -> memref<128xi32, #tpu.memory_space<vmem>>
    %dma_wait3A_278 = arith.constant 0 : i32
    %dma_wait3A_279 = arith.constant 0 : i32
    %dma_wait3A_280 = tpu.memref_slice %arg2[%dma_wait3A_278, %dma_wait3A_279] : memref<65536x32xf32, #tpu.memory_space<hbm>> -> memref<65536x32xf32, #tpu.memory_space<hbm>>
    tpu.wait_indirect_dma semaphore(%arg7 : memref<!tpu.dma_semaphore, #tpu.memory_space<semaphore_mem>>) src(%dma_wait3A_280 : memref<65536x32xf32, #tpu.memory_space<hbm>>) dst(%dma_wait3A_274 : memref<128x32xf32, #tpu.memory_space<vmem>>)
    %dma_wait3A_281 = arith.constant 12 : i32
    %dma_wait3A_282 = arith.constant 1536 : i32
    %dma_wait3A_283 = arith.constant 0 : i32
    %dma_wait3A_284 = tpu.memref_slice %arg6[%dma_wait3A_282, %dma_wait3A_283] : memref<2048x32xf32, #tpu.memory_space<vmem>> -> memref<128x32xf32, #tpu.memory_space<vmem>>
    %dma_wait3A_285 = arith.constant 0 : i32
    %dma_wait3A_286 = tpu.memref_slice %arg5[%dma_wait3A_281, %dma_wait3A_285] : memref<16x128xi32, #tpu.memory_space<vmem>> -> memref<1x128xi32, #tpu.memory_space<vmem>>
    %dma_wait3A_287 = tpu.memref_squeeze %dma_wait3A_286 : memref<1x128xi32, #tpu.memory_space<vmem>> -> memref<128xi32, #tpu.memory_space<vmem>>
    %dma_wait3A_288 = arith.constant 0 : i32
    %dma_wait3A_289 = arith.constant 0 : i32
    %dma_wait3A_290 = tpu.memref_slice %arg2[%dma_wait3A_288, %dma_wait3A_289] : memref<65536x32xf32, #tpu.memory_space<hbm>> -> memref<65536x32xf32, #tpu.memory_space<hbm>>
    tpu.wait_indirect_dma semaphore(%arg7 : memref<!tpu.dma_semaphore, #tpu.memory_space<semaphore_mem>>) src(%dma_wait3A_290 : memref<65536x32xf32, #tpu.memory_space<hbm>>) dst(%dma_wait3A_284 : memref<128x32xf32, #tpu.memory_space<vmem>>)
    %dma_wait3A_291 = arith.constant 13 : i32
    %dma_wait3A_292 = arith.constant 1664 : i32
    %dma_wait3A_293 = arith.constant 0 : i32
    %dma_wait3A_294 = tpu.memref_slice %arg6[%dma_wait3A_292, %dma_wait3A_293] : memref<2048x32xf32, #tpu.memory_space<vmem>> -> memref<128x32xf32, #tpu.memory_space<vmem>>
    %dma_wait3A_295 = arith.constant 0 : i32
    %dma_wait3A_296 = tpu.memref_slice %arg5[%dma_wait3A_291, %dma_wait3A_295] : memref<16x128xi32, #tpu.memory_space<vmem>> -> memref<1x128xi32, #tpu.memory_space<vmem>>
    %dma_wait3A_297 = tpu.memref_squeeze %dma_wait3A_296 : memref<1x128xi32, #tpu.memory_space<vmem>> -> memref<128xi32, #tpu.memory_space<vmem>>
    %dma_wait3A_298 = arith.constant 0 : i32
    %dma_wait3A_299 = arith.constant 0 : i32
    %dma_wait3A_300 = tpu.memref_slice %arg2[%dma_wait3A_298, %dma_wait3A_299] : memref<65536x32xf32, #tpu.memory_space<hbm>> -> memref<65536x32xf32, #tpu.memory_space<hbm>>
    tpu.wait_indirect_dma semaphore(%arg7 : memref<!tpu.dma_semaphore, #tpu.memory_space<semaphore_mem>>) src(%dma_wait3A_300 : memref<65536x32xf32, #tpu.memory_space<hbm>>) dst(%dma_wait3A_294 : memref<128x32xf32, #tpu.memory_space<vmem>>)
    %dma_wait3A_301 = arith.constant 14 : i32
    %dma_wait3A_302 = arith.constant 1792 : i32
    %dma_wait3A_303 = arith.constant 0 : i32
    %dma_wait3A_304 = tpu.memref_slice %arg6[%dma_wait3A_302, %dma_wait3A_303] : memref<2048x32xf32, #tpu.memory_space<vmem>> -> memref<128x32xf32, #tpu.memory_space<vmem>>
    %dma_wait3A_305 = arith.constant 0 : i32
    %dma_wait3A_306 = tpu.memref_slice %arg5[%dma_wait3A_301, %dma_wait3A_305] : memref<16x128xi32, #tpu.memory_space<vmem>> -> memref<1x128xi32, #tpu.memory_space<vmem>>
    %dma_wait3A_307 = tpu.memref_squeeze %dma_wait3A_306 : memref<1x128xi32, #tpu.memory_space<vmem>> -> memref<128xi32, #tpu.memory_space<vmem>>
    %dma_wait3A_308 = arith.constant 0 : i32
    %dma_wait3A_309 = arith.constant 0 : i32
    %dma_wait3A_310 = tpu.memref_slice %arg2[%dma_wait3A_308, %dma_wait3A_309] : memref<65536x32xf32, #tpu.memory_space<hbm>> -> memref<65536x32xf32, #tpu.memory_space<hbm>>
    tpu.wait_indirect_dma semaphore(%arg7 : memref<!tpu.dma_semaphore, #tpu.memory_space<semaphore_mem>>) src(%dma_wait3A_310 : memref<65536x32xf32, #tpu.memory_space<hbm>>) dst(%dma_wait3A_304 : memref<128x32xf32, #tpu.memory_space<vmem>>)
    %dma_wait3A_311 = arith.constant 15 : i32
    %dma_wait3A_312 = arith.constant 1920 : i32
    %dma_wait3A_313 = arith.constant 0 : i32
    %dma_wait3A_314 = tpu.memref_slice %arg6[%dma_wait3A_312, %dma_wait3A_313] : memref<2048x32xf32, #tpu.memory_space<vmem>> -> memref<128x32xf32, #tpu.memory_space<vmem>>
    %dma_wait3A_315 = arith.constant 0 : i32
    %dma_wait3A_316 = tpu.memref_slice %arg5[%dma_wait3A_311, %dma_wait3A_315] : memref<16x128xi32, #tpu.memory_space<vmem>> -> memref<1x128xi32, #tpu.memory_space<vmem>>
    %dma_wait3A_317 = tpu.memref_squeeze %dma_wait3A_316 : memref<1x128xi32, #tpu.memory_space<vmem>> -> memref<128xi32, #tpu.memory_space<vmem>>
    %dma_wait3A_318 = arith.constant 0 : i32
    %dma_wait3A_319 = arith.constant 0 : i32
    %dma_wait3A_320 = tpu.memref_slice %arg2[%dma_wait3A_318, %dma_wait3A_319] : memref<65536x32xf32, #tpu.memory_space<hbm>> -> memref<65536x32xf32, #tpu.memory_space<hbm>>
    tpu.wait_indirect_dma semaphore(%arg7 : memref<!tpu.dma_semaphore, #tpu.memory_space<semaphore_mem>>) src(%dma_wait3A_320 : memref<65536x32xf32, #tpu.memory_space<hbm>>) dst(%dma_wait3A_314 : memref<128x32xf32, #tpu.memory_space<vmem>>)
    %mul3A_321 = arith.constant 2048 : i32
    %mul3A_322 = arith.muli %add3A, %mul3A_321 : i32
    "tpu.region"() ({
      %run_scoped3A = tpu.sem_alloc : memref<!tpu.dma_semaphore, #tpu.memory_space<semaphore_mem>>
      %dma_start3A_323 = arith.constant 0 : i32
      %dma_start3A_324 = tpu.memref_slice %arg4[%mul3A_322, %dma_start3A_323] : memref<65536x32xf32, #tpu.memory_space<hbm>> -> memref<2048x32xf32, #tpu.memory_space<hbm>>
      %dma_start3A_325 = arith.constant 0 : i32
      %dma_start3A_326 = tpu.memref_slice %arg4[%mul3A_322, %dma_start3A_325] : memref<65536x32xf32, #tpu.memory_space<hbm>> -> memref<2048x32xf32, #tpu.memory_space<hbm>>
      tpu.enqueue_dma source(%arg6 : memref<2048x32xf32, #tpu.memory_space<vmem>>) target(%dma_start3A_326 : memref<2048x32xf32, #tpu.memory_space<hbm>>) target_semaphore(%run_scoped3A : memref<!tpu.dma_semaphore, #tpu.memory_space<semaphore_mem>>)
      %dma_wait3A_327 = arith.constant 0 : i32
      %dma_wait3A_328 = tpu.memref_slice %arg4[%mul3A_322, %dma_wait3A_327] : memref<65536x32xf32, #tpu.memory_space<hbm>> -> memref<2048x32xf32, #tpu.memory_space<hbm>>
      %dma_wait3A_329 = arith.constant 0 : i32
      %dma_wait3A_330 = tpu.memref_slice %arg4[%mul3A_322, %dma_wait3A_329] : memref<65536x32xf32, #tpu.memory_space<hbm>> -> memref<2048x32xf32, #tpu.memory_space<hbm>>
      tpu.wait_dma2 semaphore(%run_scoped3A : memref<!tpu.dma_semaphore, #tpu.memory_space<semaphore_mem>>) src(%arg6 : memref<2048x32xf32, #tpu.memory_space<vmem>>) dst(%dma_wait3A_330 : memref<2048x32xf32, #tpu.memory_space<hbm>>)
      tpu.yield
    }) : () -> ()
    return
  }
}

module attributes {stable_mosaic.version = 14 : i64} {
  func.func @_vq_argmin_kernel(%arg0: i32, %arg1: i32, %arg2: memref<1x1024x32xf32, #tpu.memory_space<vmem>>, %arg3: memref<1x8192x32xf32, #tpu.memory_space<vmem>>, %arg4: memref<1x1x1024xf32, #tpu.memory_space<vmem>>, %arg5: memref<1x1x8192xf32, #tpu.memory_space<vmem>>, %arg6: memref<1x1x1024xi32, #tpu.memory_space<vmem>>, %arg7: memref<1x1x1024xi32, #tpu.memory_space<vmem>>, %arg8: memref<1x1xf32, #tpu.memory_space<vmem>>) attributes {dimension_semantics = [#tpu.dimension_semantics<arbitrary>, #tpu.dimension_semantics<arbitrary>], iteration_bounds = array<i64: 8, 8>, scalar_prefetch = 0 : i64, scratch_operands = 0 : i64, tpu.core_type = #tpu.core_type<tc>, window_params = [{transform_indices = @transform_0, window_bounds = array<i64: 1, 1024, 32>}, {transform_indices = @transform_1, window_bounds = array<i64: 1, 8192, 32>}, {transform_indices = @transform_2, window_bounds = array<i64: 1, 1, 1024>}, {transform_indices = @transform_3, window_bounds = array<i64: 1, 1, 8192>}, {transform_indices = @transform_4, window_bounds = array<i64: 1, 1, 1024>}, {transform_indices = @transform_5, window_bounds = array<i64: 1, 1, 1024>}, {pipeline_mode = #tpu.pipeline_mode<synchronous>, transform_indices = @transform_6, window_bounds = array<i64: 1, 1>}]} {
    %get3A = arith.constant 0 : index
    %get3A_0 = arith.constant 0 : index
    %get3A_1 = arith.constant 0 : index
    %get3A_2 = vector.load %arg2[%get3A, %get3A_0, %get3A_1] : memref<1x1024x32xf32, #tpu.memory_space<vmem>>, vector<1x1024x32xf32>
    %get3A_3 = vector.shape_cast %get3A_2 : vector<1x1024x32xf32> to vector<1024x32xf32>
    %convert_element_type3A = arith.truncf %get3A_3 : vector<1024x32xf32> to vector<1024x32xbf16>
    %get3A_4 = arith.constant 0 : index
    %get3A_5 = arith.constant 0 : index
    %get3A_6 = arith.constant 0 : index
    %get3A_7 = vector.load %arg4[%get3A_4, %get3A_5, %get3A_6] : memref<1x1x1024xf32, #tpu.memory_space<vmem>>, vector<1x1x1024xf32>
    %get3A_8 = vector.shape_cast %get3A_7 : vector<1x1x1024xf32> to vector<1024xf32>
    %broadcast_in_dim3A = vector.shape_cast %get3A_8 : vector<1024xf32> to vector<1x1024xf32>
    %broadcast_in_dim3A_9 = arith.constant 0x7F800000 : f32
    %broadcast_in_dim3A_10 = vector.broadcast %broadcast_in_dim3A_9 : f32 to vector<1024xf32>
    %broadcast_in_dim3A_11 = arith.constant 0 : i32
    %broadcast_in_dim3A_12 = vector.broadcast %broadcast_in_dim3A_11 : i32 to vector<1024xi32>
    %get3A_13 = arith.constant 0 : index
    %get3A_14 = arith.constant 0 : index
    %get3A_15 = arith.constant 0 : index
    %get3A_16 = vector.load %arg3[%get3A_13, %get3A_14, %get3A_15] : memref<1x8192x32xf32, #tpu.memory_space<vmem>>, vector<1x1024x32xf32>
    %get3A_17 = vector.shape_cast %get3A_16 : vector<1x1024x32xf32> to vector<1024x32xf32>
    %convert_element_type3A_18 = arith.truncf %get3A_17 : vector<1024x32xf32> to vector<1024x32xbf16>
    %mul3A = arith.constant -2.000000e+00 : bf16
    %mul3A_19 = vector.broadcast %mul3A : bf16 to vector<1024x32xbf16>
    %mul3A_20 = arith.mulf %convert_element_type3A_18, %mul3A_19 : vector<1024x32xbf16>
    %dot_general3A = arith.constant dense<0.000000e+00> : vector<1024x1024xf32>
    %dot_general3A_21 = tpu.matmul %mul3A_20, %convert_element_type3A, %dot_general3A {dimension_numbers = #tpu.dot_dimension_numbers<[1], [1], [0], [0], [0, 0, 1, 0], [], []>, transpose_lhs_hint = false} : vector<1024x32xbf16>, vector<1024x32xbf16>, vector<1024x1024xf32> -> vector<1024x1024xf32>
    %get3A_22 = arith.constant 0 : index
    %get3A_23 = arith.constant 0 : index
    %get3A_24 = arith.constant 0 : index
    %get3A_25 = vector.load %arg5[%get3A_22, %get3A_23, %get3A_24] : memref<1x1x8192xf32, #tpu.memory_space<vmem>>, vector<1x1x1024xf32>
    %get3A_26 = vector.shape_cast %get3A_25 : vector<1x1x1024xf32> to vector<1024xf32>
    %broadcast_in_dim3A_27 = vector.shape_cast %get3A_26 : vector<1024xf32> to vector<1024x1xf32>
    %add3A = vector.broadcast %broadcast_in_dim3A : vector<1x1024xf32> to vector<1024x1024xf32>
    %add3A_28 = arith.addf %add3A, %dot_general3A_21 : vector<1024x1024xf32>
    %add3A_29 = vector.broadcast %broadcast_in_dim3A_27 : vector<1024x1xf32> to vector<1024x1024xf32>
    %add3A_30 = arith.addf %add3A_28, %add3A_29 : vector<1024x1024xf32>
    %slice3A = vector.extract_strided_slice %add3A_30 {offsets = [0, 0], sizes = [512, 1024], strides = [1, 1]} : vector<1024x1024xf32> to vector<512x1024xf32>
    %slice3A_31 = vector.extract_strided_slice %add3A_30 {offsets = [512, 0], sizes = [512, 1024], strides = [1, 1]} : vector<1024x1024xf32> to vector<512x1024xf32>
    %lt3A = arith.cmpf olt, %slice3A_31, %slice3A : vector<512x1024xf32>
    %select_n3A = arith.select %lt3A, %slice3A_31, %slice3A : vector<512x1024xi1>, vector<512x1024xf32>
    %iota3A = tpu.iota {dimensions = array<i32: 0>} : vector<512x1024xi32>
    %add3A_32 = arith.constant 512 : i32
    %add3A_33 = vector.broadcast %add3A_32 : i32 to vector<512x1024xi32>
    %add3A_34 = arith.addi %iota3A, %add3A_33 : vector<512x1024xi32>
    %select_n3A_35 = arith.select %lt3A, %add3A_34, %iota3A : vector<512x1024xi1>, vector<512x1024xi32>
    %slice3A_36 = vector.extract_strided_slice %select_n3A {offsets = [0, 0], sizes = [256, 1024], strides = [1, 1]} : vector<512x1024xf32> to vector<256x1024xf32>
    %slice3A_37 = vector.extract_strided_slice %select_n3A {offsets = [256, 0], sizes = [256, 1024], strides = [1, 1]} : vector<512x1024xf32> to vector<256x1024xf32>
    %lt3A_38 = arith.cmpf olt, %slice3A_37, %slice3A_36 : vector<256x1024xf32>
    %select_n3A_39 = arith.select %lt3A_38, %slice3A_37, %slice3A_36 : vector<256x1024xi1>, vector<256x1024xf32>
    %slice3A_40 = vector.extract_strided_slice %select_n3A_35 {offsets = [256, 0], sizes = [256, 1024], strides = [1, 1]} : vector<512x1024xi32> to vector<256x1024xi32>
    %slice3A_41 = vector.extract_strided_slice %select_n3A_35 {offsets = [0, 0], sizes = [256, 1024], strides = [1, 1]} : vector<512x1024xi32> to vector<256x1024xi32>
    %select_n3A_42 = arith.select %lt3A_38, %slice3A_40, %slice3A_41 : vector<256x1024xi1>, vector<256x1024xi32>
    %slice3A_43 = vector.extract_strided_slice %select_n3A_39 {offsets = [0, 0], sizes = [128, 1024], strides = [1, 1]} : vector<256x1024xf32> to vector<128x1024xf32>
    %slice3A_44 = vector.extract_strided_slice %select_n3A_39 {offsets = [128, 0], sizes = [128, 1024], strides = [1, 1]} : vector<256x1024xf32> to vector<128x1024xf32>
    %lt3A_45 = arith.cmpf olt, %slice3A_44, %slice3A_43 : vector<128x1024xf32>
    %select_n3A_46 = arith.select %lt3A_45, %slice3A_44, %slice3A_43 : vector<128x1024xi1>, vector<128x1024xf32>
    %slice3A_47 = vector.extract_strided_slice %select_n3A_42 {offsets = [128, 0], sizes = [128, 1024], strides = [1, 1]} : vector<256x1024xi32> to vector<128x1024xi32>
    %slice3A_48 = vector.extract_strided_slice %select_n3A_42 {offsets = [0, 0], sizes = [128, 1024], strides = [1, 1]} : vector<256x1024xi32> to vector<128x1024xi32>
    %select_n3A_49 = arith.select %lt3A_45, %slice3A_47, %slice3A_48 : vector<128x1024xi1>, vector<128x1024xi32>
    %slice3A_50 = vector.extract_strided_slice %select_n3A_46 {offsets = [0, 0], sizes = [64, 1024], strides = [1, 1]} : vector<128x1024xf32> to vector<64x1024xf32>
    %slice3A_51 = vector.extract_strided_slice %select_n3A_46 {offsets = [64, 0], sizes = [64, 1024], strides = [1, 1]} : vector<128x1024xf32> to vector<64x1024xf32>
    %lt3A_52 = arith.cmpf olt, %slice3A_51, %slice3A_50 : vector<64x1024xf32>
    %select_n3A_53 = arith.select %lt3A_52, %slice3A_51, %slice3A_50 : vector<64x1024xi1>, vector<64x1024xf32>
    %slice3A_54 = vector.extract_strided_slice %select_n3A_49 {offsets = [64, 0], sizes = [64, 1024], strides = [1, 1]} : vector<128x1024xi32> to vector<64x1024xi32>
    %slice3A_55 = vector.extract_strided_slice %select_n3A_49 {offsets = [0, 0], sizes = [64, 1024], strides = [1, 1]} : vector<128x1024xi32> to vector<64x1024xi32>
    %select_n3A_56 = arith.select %lt3A_52, %slice3A_54, %slice3A_55 : vector<64x1024xi1>, vector<64x1024xi32>
    %slice3A_57 = vector.extract_strided_slice %select_n3A_53 {offsets = [0, 0], sizes = [32, 1024], strides = [1, 1]} : vector<64x1024xf32> to vector<32x1024xf32>
    %slice3A_58 = vector.extract_strided_slice %select_n3A_53 {offsets = [32, 0], sizes = [32, 1024], strides = [1, 1]} : vector<64x1024xf32> to vector<32x1024xf32>
    %lt3A_59 = arith.cmpf olt, %slice3A_58, %slice3A_57 : vector<32x1024xf32>
    %select_n3A_60 = arith.select %lt3A_59, %slice3A_58, %slice3A_57 : vector<32x1024xi1>, vector<32x1024xf32>
    %slice3A_61 = vector.extract_strided_slice %select_n3A_56 {offsets = [32, 0], sizes = [32, 1024], strides = [1, 1]} : vector<64x1024xi32> to vector<32x1024xi32>
    %slice3A_62 = vector.extract_strided_slice %select_n3A_56 {offsets = [0, 0], sizes = [32, 1024], strides = [1, 1]} : vector<64x1024xi32> to vector<32x1024xi32>
    %select_n3A_63 = arith.select %lt3A_59, %slice3A_61, %slice3A_62 : vector<32x1024xi1>, vector<32x1024xi32>
    %slice3A_64 = vector.extract_strided_slice %select_n3A_60 {offsets = [0, 0], sizes = [16, 1024], strides = [1, 1]} : vector<32x1024xf32> to vector<16x1024xf32>
    %slice3A_65 = vector.extract_strided_slice %select_n3A_60 {offsets = [16, 0], sizes = [16, 1024], strides = [1, 1]} : vector<32x1024xf32> to vector<16x1024xf32>
    %lt3A_66 = arith.cmpf olt, %slice3A_65, %slice3A_64 : vector<16x1024xf32>
    %select_n3A_67 = arith.select %lt3A_66, %slice3A_65, %slice3A_64 : vector<16x1024xi1>, vector<16x1024xf32>
    %slice3A_68 = vector.extract_strided_slice %select_n3A_63 {offsets = [16, 0], sizes = [16, 1024], strides = [1, 1]} : vector<32x1024xi32> to vector<16x1024xi32>
    %slice3A_69 = vector.extract_strided_slice %select_n3A_63 {offsets = [0, 0], sizes = [16, 1024], strides = [1, 1]} : vector<32x1024xi32> to vector<16x1024xi32>
    %select_n3A_70 = arith.select %lt3A_66, %slice3A_68, %slice3A_69 : vector<16x1024xi1>, vector<16x1024xi32>
    %slice3A_71 = vector.extract_strided_slice %select_n3A_67 {offsets = [0, 0], sizes = [8, 1024], strides = [1, 1]} : vector<16x1024xf32> to vector<8x1024xf32>
    %slice3A_72 = vector.extract_strided_slice %select_n3A_67 {offsets = [8, 0], sizes = [8, 1024], strides = [1, 1]} : vector<16x1024xf32> to vector<8x1024xf32>
    %lt3A_73 = arith.cmpf olt, %slice3A_72, %slice3A_71 : vector<8x1024xf32>
    %select_n3A_74 = arith.select %lt3A_73, %slice3A_72, %slice3A_71 : vector<8x1024xi1>, vector<8x1024xf32>
    %slice3A_75 = vector.extract_strided_slice %select_n3A_70 {offsets = [8, 0], sizes = [8, 1024], strides = [1, 1]} : vector<16x1024xi32> to vector<8x1024xi32>
    %slice3A_76 = vector.extract_strided_slice %select_n3A_70 {offsets = [0, 0], sizes = [8, 1024], strides = [1, 1]} : vector<16x1024xi32> to vector<8x1024xi32>
    %select_n3A_77 = arith.select %lt3A_73, %slice3A_75, %slice3A_76 : vector<8x1024xi1>, vector<8x1024xi32>
    %slice3A_78 = vector.extract_strided_slice %select_n3A_74 {offsets = [0, 0], sizes = [4, 1024], strides = [1, 1]} : vector<8x1024xf32> to vector<4x1024xf32>
    %slice3A_79 = vector.extract_strided_slice %select_n3A_74 {offsets = [4, 0], sizes = [4, 1024], strides = [1, 1]} : vector<8x1024xf32> to vector<4x1024xf32>
    %lt3A_80 = arith.cmpf olt, %slice3A_79, %slice3A_78 : vector<4x1024xf32>
    %select_n3A_81 = arith.select %lt3A_80, %slice3A_79, %slice3A_78 : vector<4x1024xi1>, vector<4x1024xf32>
    %slice3A_82 = vector.extract_strided_slice %select_n3A_77 {offsets = [4, 0], sizes = [4, 1024], strides = [1, 1]} : vector<8x1024xi32> to vector<4x1024xi32>
    %slice3A_83 = vector.extract_strided_slice %select_n3A_77 {offsets = [0, 0], sizes = [4, 1024], strides = [1, 1]} : vector<8x1024xi32> to vector<4x1024xi32>
    %select_n3A_84 = arith.select %lt3A_80, %slice3A_82, %slice3A_83 : vector<4x1024xi1>, vector<4x1024xi32>
    %slice3A_85 = vector.extract_strided_slice %select_n3A_81 {offsets = [0, 0], sizes = [2, 1024], strides = [1, 1]} : vector<4x1024xf32> to vector<2x1024xf32>
    %slice3A_86 = vector.extract_strided_slice %select_n3A_81 {offsets = [2, 0], sizes = [2, 1024], strides = [1, 1]} : vector<4x1024xf32> to vector<2x1024xf32>
    %lt3A_87 = arith.cmpf olt, %slice3A_86, %slice3A_85 : vector<2x1024xf32>
    %select_n3A_88 = arith.select %lt3A_87, %slice3A_86, %slice3A_85 : vector<2x1024xi1>, vector<2x1024xf32>
    %slice3A_89 = vector.extract_strided_slice %select_n3A_84 {offsets = [2, 0], sizes = [2, 1024], strides = [1, 1]} : vector<4x1024xi32> to vector<2x1024xi32>
    %slice3A_90 = vector.extract_strided_slice %select_n3A_84 {offsets = [0, 0], sizes = [2, 1024], strides = [1, 1]} : vector<4x1024xi32> to vector<2x1024xi32>
    %select_n3A_91 = arith.select %lt3A_87, %slice3A_89, %slice3A_90 : vector<2x1024xi1>, vector<2x1024xi32>
    %slice3A_92 = vector.extract_strided_slice %select_n3A_88 {offsets = [0, 0], sizes = [1, 1024], strides = [1, 1]} : vector<2x1024xf32> to vector<1x1024xf32>
    %slice3A_93 = vector.extract_strided_slice %select_n3A_88 {offsets = [1, 0], sizes = [1, 1024], strides = [1, 1]} : vector<2x1024xf32> to vector<1x1024xf32>
    %lt3A_94 = arith.cmpf olt, %slice3A_93, %slice3A_92 : vector<1x1024xf32>
    %select_n3A_95 = arith.select %lt3A_94, %slice3A_93, %slice3A_92 : vector<1x1024xi1>, vector<1x1024xf32>
    %slice3A_96 = vector.extract_strided_slice %select_n3A_91 {offsets = [1, 0], sizes = [1, 1024], strides = [1, 1]} : vector<2x1024xi32> to vector<1x1024xi32>
    %slice3A_97 = vector.extract_strided_slice %select_n3A_91 {offsets = [0, 0], sizes = [1, 1024], strides = [1, 1]} : vector<2x1024xi32> to vector<1x1024xi32>
    %select_n3A_98 = arith.select %lt3A_94, %slice3A_96, %slice3A_97 : vector<1x1024xi1>, vector<1x1024xi32>
    %squeeze3A = vector.shape_cast %select_n3A_95 : vector<1x1024xf32> to vector<1024xf32>
    %squeeze3A_99 = vector.shape_cast %select_n3A_98 : vector<1x1024xi32> to vector<1024xi32>
    %add3A_100 = arith.constant 0 : i32
    %add3A_101 = vector.broadcast %add3A_100 : i32 to vector<1024xi32>
    %add3A_102 = arith.addi %squeeze3A_99, %add3A_101 : vector<1024xi32>
    %convert_element_type3A_103 = arith.truncf %broadcast_in_dim3A_10 : vector<1024xf32> to vector<1024xbf16>
    %convert_element_type3A_104 = arith.extf %convert_element_type3A_103 : vector<1024xbf16> to vector<1024xf32>
    %jit3A = arith.constant false
    %select_n3A_105 = arith.select %jit3A, %convert_element_type3A_104, %broadcast_in_dim3A_10 : vector<1024xf32>
    %lt3A_106 = arith.cmpf olt, %squeeze3A, %select_n3A_105 : vector<1024xf32>
    %select_n3A_107 = arith.select %lt3A_106, %squeeze3A, %select_n3A_105 : vector<1024xi1>, vector<1024xf32>
    %select_n3A_108 = arith.select %lt3A_106, %add3A_102, %broadcast_in_dim3A_12 : vector<1024xi1>, vector<1024xi32>
    %get3A_109 = arith.constant 0 : index
    %get3A_110 = arith.constant 1024 : index
    %get3A_111 = arith.constant 0 : index
    %get3A_112 = vector.load %arg3[%get3A_109, %get3A_110, %get3A_111] : memref<1x8192x32xf32, #tpu.memory_space<vmem>>, vector<1x1024x32xf32>
    %get3A_113 = vector.shape_cast %get3A_112 : vector<1x1024x32xf32> to vector<1024x32xf32>
    %convert_element_type3A_114 = arith.truncf %get3A_113 : vector<1024x32xf32> to vector<1024x32xbf16>
    %mul3A_115 = arith.constant -2.000000e+00 : bf16
    %mul3A_116 = vector.broadcast %mul3A_115 : bf16 to vector<1024x32xbf16>
    %mul3A_117 = arith.mulf %convert_element_type3A_114, %mul3A_116 : vector<1024x32xbf16>
    %dot_general3A_118 = arith.constant dense<0.000000e+00> : vector<1024x1024xf32>
    %dot_general3A_119 = tpu.matmul %mul3A_117, %convert_element_type3A, %dot_general3A_118 {dimension_numbers = #tpu.dot_dimension_numbers<[1], [1], [0], [0], [0, 0, 1, 0], [], []>, transpose_lhs_hint = false} : vector<1024x32xbf16>, vector<1024x32xbf16>, vector<1024x1024xf32> -> vector<1024x1024xf32>
    %get3A_120 = arith.constant 0 : index
    %get3A_121 = arith.constant 0 : index
    %get3A_122 = arith.constant 1024 : index
    %get3A_123 = vector.load %arg5[%get3A_120, %get3A_121, %get3A_122] : memref<1x1x8192xf32, #tpu.memory_space<vmem>>, vector<1x1x1024xf32>
    %get3A_124 = vector.shape_cast %get3A_123 : vector<1x1x1024xf32> to vector<1024xf32>
    %broadcast_in_dim3A_125 = vector.shape_cast %get3A_124 : vector<1024xf32> to vector<1024x1xf32>
    %add3A_126 = vector.broadcast %broadcast_in_dim3A : vector<1x1024xf32> to vector<1024x1024xf32>
    %add3A_127 = arith.addf %add3A_126, %dot_general3A_119 : vector<1024x1024xf32>
    %add3A_128 = vector.broadcast %broadcast_in_dim3A_125 : vector<1024x1xf32> to vector<1024x1024xf32>
    %add3A_129 = arith.addf %add3A_127, %add3A_128 : vector<1024x1024xf32>
    %slice3A_130 = vector.extract_strided_slice %add3A_129 {offsets = [0, 0], sizes = [512, 1024], strides = [1, 1]} : vector<1024x1024xf32> to vector<512x1024xf32>
    %slice3A_131 = vector.extract_strided_slice %add3A_129 {offsets = [512, 0], sizes = [512, 1024], strides = [1, 1]} : vector<1024x1024xf32> to vector<512x1024xf32>
    %lt3A_132 = arith.cmpf olt, %slice3A_131, %slice3A_130 : vector<512x1024xf32>
    %select_n3A_133 = arith.select %lt3A_132, %slice3A_131, %slice3A_130 : vector<512x1024xi1>, vector<512x1024xf32>
    %iota3A_134 = tpu.iota {dimensions = array<i32: 0>} : vector<512x1024xi32>
    %add3A_135 = arith.constant 512 : i32
    %add3A_136 = vector.broadcast %add3A_135 : i32 to vector<512x1024xi32>
    %add3A_137 = arith.addi %iota3A_134, %add3A_136 : vector<512x1024xi32>
    %select_n3A_138 = arith.select %lt3A_132, %add3A_137, %iota3A_134 : vector<512x1024xi1>, vector<512x1024xi32>
    %slice3A_139 = vector.extract_strided_slice %select_n3A_133 {offsets = [0, 0], sizes = [256, 1024], strides = [1, 1]} : vector<512x1024xf32> to vector<256x1024xf32>
    %slice3A_140 = vector.extract_strided_slice %select_n3A_133 {offsets = [256, 0], sizes = [256, 1024], strides = [1, 1]} : vector<512x1024xf32> to vector<256x1024xf32>
    %lt3A_141 = arith.cmpf olt, %slice3A_140, %slice3A_139 : vector<256x1024xf32>
    %select_n3A_142 = arith.select %lt3A_141, %slice3A_140, %slice3A_139 : vector<256x1024xi1>, vector<256x1024xf32>
    %slice3A_143 = vector.extract_strided_slice %select_n3A_138 {offsets = [256, 0], sizes = [256, 1024], strides = [1, 1]} : vector<512x1024xi32> to vector<256x1024xi32>
    %slice3A_144 = vector.extract_strided_slice %select_n3A_138 {offsets = [0, 0], sizes = [256, 1024], strides = [1, 1]} : vector<512x1024xi32> to vector<256x1024xi32>
    %select_n3A_145 = arith.select %lt3A_141, %slice3A_143, %slice3A_144 : vector<256x1024xi1>, vector<256x1024xi32>
    %slice3A_146 = vector.extract_strided_slice %select_n3A_142 {offsets = [0, 0], sizes = [128, 1024], strides = [1, 1]} : vector<256x1024xf32> to vector<128x1024xf32>
    %slice3A_147 = vector.extract_strided_slice %select_n3A_142 {offsets = [128, 0], sizes = [128, 1024], strides = [1, 1]} : vector<256x1024xf32> to vector<128x1024xf32>
    %lt3A_148 = arith.cmpf olt, %slice3A_147, %slice3A_146 : vector<128x1024xf32>
    %select_n3A_149 = arith.select %lt3A_148, %slice3A_147, %slice3A_146 : vector<128x1024xi1>, vector<128x1024xf32>
    %slice3A_150 = vector.extract_strided_slice %select_n3A_145 {offsets = [128, 0], sizes = [128, 1024], strides = [1, 1]} : vector<256x1024xi32> to vector<128x1024xi32>
    %slice3A_151 = vector.extract_strided_slice %select_n3A_145 {offsets = [0, 0], sizes = [128, 1024], strides = [1, 1]} : vector<256x1024xi32> to vector<128x1024xi32>
    %select_n3A_152 = arith.select %lt3A_148, %slice3A_150, %slice3A_151 : vector<128x1024xi1>, vector<128x1024xi32>
    %slice3A_153 = vector.extract_strided_slice %select_n3A_149 {offsets = [0, 0], sizes = [64, 1024], strides = [1, 1]} : vector<128x1024xf32> to vector<64x1024xf32>
    %slice3A_154 = vector.extract_strided_slice %select_n3A_149 {offsets = [64, 0], sizes = [64, 1024], strides = [1, 1]} : vector<128x1024xf32> to vector<64x1024xf32>
    %lt3A_155 = arith.cmpf olt, %slice3A_154, %slice3A_153 : vector<64x1024xf32>
    %select_n3A_156 = arith.select %lt3A_155, %slice3A_154, %slice3A_153 : vector<64x1024xi1>, vector<64x1024xf32>
    %slice3A_157 = vector.extract_strided_slice %select_n3A_152 {offsets = [64, 0], sizes = [64, 1024], strides = [1, 1]} : vector<128x1024xi32> to vector<64x1024xi32>
    %slice3A_158 = vector.extract_strided_slice %select_n3A_152 {offsets = [0, 0], sizes = [64, 1024], strides = [1, 1]} : vector<128x1024xi32> to vector<64x1024xi32>
    %select_n3A_159 = arith.select %lt3A_155, %slice3A_157, %slice3A_158 : vector<64x1024xi1>, vector<64x1024xi32>
    %slice3A_160 = vector.extract_strided_slice %select_n3A_156 {offsets = [0, 0], sizes = [32, 1024], strides = [1, 1]} : vector<64x1024xf32> to vector<32x1024xf32>
    %slice3A_161 = vector.extract_strided_slice %select_n3A_156 {offsets = [32, 0], sizes = [32, 1024], strides = [1, 1]} : vector<64x1024xf32> to vector<32x1024xf32>
    %lt3A_162 = arith.cmpf olt, %slice3A_161, %slice3A_160 : vector<32x1024xf32>
    %select_n3A_163 = arith.select %lt3A_162, %slice3A_161, %slice3A_160 : vector<32x1024xi1>, vector<32x1024xf32>
    %slice3A_164 = vector.extract_strided_slice %select_n3A_159 {offsets = [32, 0], sizes = [32, 1024], strides = [1, 1]} : vector<64x1024xi32> to vector<32x1024xi32>
    %slice3A_165 = vector.extract_strided_slice %select_n3A_159 {offsets = [0, 0], sizes = [32, 1024], strides = [1, 1]} : vector<64x1024xi32> to vector<32x1024xi32>
    %select_n3A_166 = arith.select %lt3A_162, %slice3A_164, %slice3A_165 : vector<32x1024xi1>, vector<32x1024xi32>
    %slice3A_167 = vector.extract_strided_slice %select_n3A_163 {offsets = [0, 0], sizes = [16, 1024], strides = [1, 1]} : vector<32x1024xf32> to vector<16x1024xf32>
    %slice3A_168 = vector.extract_strided_slice %select_n3A_163 {offsets = [16, 0], sizes = [16, 1024], strides = [1, 1]} : vector<32x1024xf32> to vector<16x1024xf32>
    %lt3A_169 = arith.cmpf olt, %slice3A_168, %slice3A_167 : vector<16x1024xf32>
    %select_n3A_170 = arith.select %lt3A_169, %slice3A_168, %slice3A_167 : vector<16x1024xi1>, vector<16x1024xf32>
    %slice3A_171 = vector.extract_strided_slice %select_n3A_166 {offsets = [16, 0], sizes = [16, 1024], strides = [1, 1]} : vector<32x1024xi32> to vector<16x1024xi32>
    %slice3A_172 = vector.extract_strided_slice %select_n3A_166 {offsets = [0, 0], sizes = [16, 1024], strides = [1, 1]} : vector<32x1024xi32> to vector<16x1024xi32>
    %select_n3A_173 = arith.select %lt3A_169, %slice3A_171, %slice3A_172 : vector<16x1024xi1>, vector<16x1024xi32>
    %slice3A_174 = vector.extract_strided_slice %select_n3A_170 {offsets = [0, 0], sizes = [8, 1024], strides = [1, 1]} : vector<16x1024xf32> to vector<8x1024xf32>
    %slice3A_175 = vector.extract_strided_slice %select_n3A_170 {offsets = [8, 0], sizes = [8, 1024], strides = [1, 1]} : vector<16x1024xf32> to vector<8x1024xf32>
    %lt3A_176 = arith.cmpf olt, %slice3A_175, %slice3A_174 : vector<8x1024xf32>
    %select_n3A_177 = arith.select %lt3A_176, %slice3A_175, %slice3A_174 : vector<8x1024xi1>, vector<8x1024xf32>
    %slice3A_178 = vector.extract_strided_slice %select_n3A_173 {offsets = [8, 0], sizes = [8, 1024], strides = [1, 1]} : vector<16x1024xi32> to vector<8x1024xi32>
    %slice3A_179 = vector.extract_strided_slice %select_n3A_173 {offsets = [0, 0], sizes = [8, 1024], strides = [1, 1]} : vector<16x1024xi32> to vector<8x1024xi32>
    %select_n3A_180 = arith.select %lt3A_176, %slice3A_178, %slice3A_179 : vector<8x1024xi1>, vector<8x1024xi32>
    %slice3A_181 = vector.extract_strided_slice %select_n3A_177 {offsets = [0, 0], sizes = [4, 1024], strides = [1, 1]} : vector<8x1024xf32> to vector<4x1024xf32>
    %slice3A_182 = vector.extract_strided_slice %select_n3A_177 {offsets = [4, 0], sizes = [4, 1024], strides = [1, 1]} : vector<8x1024xf32> to vector<4x1024xf32>
    %lt3A_183 = arith.cmpf olt, %slice3A_182, %slice3A_181 : vector<4x1024xf32>
    %select_n3A_184 = arith.select %lt3A_183, %slice3A_182, %slice3A_181 : vector<4x1024xi1>, vector<4x1024xf32>
    %slice3A_185 = vector.extract_strided_slice %select_n3A_180 {offsets = [4, 0], sizes = [4, 1024], strides = [1, 1]} : vector<8x1024xi32> to vector<4x1024xi32>
    %slice3A_186 = vector.extract_strided_slice %select_n3A_180 {offsets = [0, 0], sizes = [4, 1024], strides = [1, 1]} : vector<8x1024xi32> to vector<4x1024xi32>
    %select_n3A_187 = arith.select %lt3A_183, %slice3A_185, %slice3A_186 : vector<4x1024xi1>, vector<4x1024xi32>
    %slice3A_188 = vector.extract_strided_slice %select_n3A_184 {offsets = [0, 0], sizes = [2, 1024], strides = [1, 1]} : vector<4x1024xf32> to vector<2x1024xf32>
    %slice3A_189 = vector.extract_strided_slice %select_n3A_184 {offsets = [2, 0], sizes = [2, 1024], strides = [1, 1]} : vector<4x1024xf32> to vector<2x1024xf32>
    %lt3A_190 = arith.cmpf olt, %slice3A_189, %slice3A_188 : vector<2x1024xf32>
    %select_n3A_191 = arith.select %lt3A_190, %slice3A_189, %slice3A_188 : vector<2x1024xi1>, vector<2x1024xf32>
    %slice3A_192 = vector.extract_strided_slice %select_n3A_187 {offsets = [2, 0], sizes = [2, 1024], strides = [1, 1]} : vector<4x1024xi32> to vector<2x1024xi32>
    %slice3A_193 = vector.extract_strided_slice %select_n3A_187 {offsets = [0, 0], sizes = [2, 1024], strides = [1, 1]} : vector<4x1024xi32> to vector<2x1024xi32>
    %select_n3A_194 = arith.select %lt3A_190, %slice3A_192, %slice3A_193 : vector<2x1024xi1>, vector<2x1024xi32>
    %slice3A_195 = vector.extract_strided_slice %select_n3A_191 {offsets = [0, 0], sizes = [1, 1024], strides = [1, 1]} : vector<2x1024xf32> to vector<1x1024xf32>
    %slice3A_196 = vector.extract_strided_slice %select_n3A_191 {offsets = [1, 0], sizes = [1, 1024], strides = [1, 1]} : vector<2x1024xf32> to vector<1x1024xf32>
    %lt3A_197 = arith.cmpf olt, %slice3A_196, %slice3A_195 : vector<1x1024xf32>
    %select_n3A_198 = arith.select %lt3A_197, %slice3A_196, %slice3A_195 : vector<1x1024xi1>, vector<1x1024xf32>
    %slice3A_199 = vector.extract_strided_slice %select_n3A_194 {offsets = [1, 0], sizes = [1, 1024], strides = [1, 1]} : vector<2x1024xi32> to vector<1x1024xi32>
    %slice3A_200 = vector.extract_strided_slice %select_n3A_194 {offsets = [0, 0], sizes = [1, 1024], strides = [1, 1]} : vector<2x1024xi32> to vector<1x1024xi32>
    %select_n3A_201 = arith.select %lt3A_197, %slice3A_199, %slice3A_200 : vector<1x1024xi1>, vector<1x1024xi32>
    %squeeze3A_202 = vector.shape_cast %select_n3A_198 : vector<1x1024xf32> to vector<1024xf32>
    %squeeze3A_203 = vector.shape_cast %select_n3A_201 : vector<1x1024xi32> to vector<1024xi32>
    %add3A_204 = arith.constant 1024 : i32
    %add3A_205 = vector.broadcast %add3A_204 : i32 to vector<1024xi32>
    %add3A_206 = arith.addi %squeeze3A_203, %add3A_205 : vector<1024xi32>
    %convert_element_type3A_207 = arith.truncf %select_n3A_107 : vector<1024xf32> to vector<1024xbf16>
    %convert_element_type3A_208 = arith.extf %convert_element_type3A_207 : vector<1024xbf16> to vector<1024xf32>
    %jit3A_209 = arith.constant false
    %select_n3A_210 = arith.select %jit3A_209, %convert_element_type3A_208, %select_n3A_107 : vector<1024xf32>
    %lt3A_211 = arith.cmpf olt, %squeeze3A_202, %select_n3A_210 : vector<1024xf32>
    %select_n3A_212 = arith.select %lt3A_211, %squeeze3A_202, %select_n3A_210 : vector<1024xi1>, vector<1024xf32>
    %select_n3A_213 = arith.select %lt3A_211, %add3A_206, %select_n3A_108 : vector<1024xi1>, vector<1024xi32>
    %get3A_214 = arith.constant 0 : index
    %get3A_215 = arith.constant 2048 : index
    %get3A_216 = arith.constant 0 : index
    %get3A_217 = vector.load %arg3[%get3A_214, %get3A_215, %get3A_216] : memref<1x8192x32xf32, #tpu.memory_space<vmem>>, vector<1x1024x32xf32>
    %get3A_218 = vector.shape_cast %get3A_217 : vector<1x1024x32xf32> to vector<1024x32xf32>
    %convert_element_type3A_219 = arith.truncf %get3A_218 : vector<1024x32xf32> to vector<1024x32xbf16>
    %mul3A_220 = arith.constant -2.000000e+00 : bf16
    %mul3A_221 = vector.broadcast %mul3A_220 : bf16 to vector<1024x32xbf16>
    %mul3A_222 = arith.mulf %convert_element_type3A_219, %mul3A_221 : vector<1024x32xbf16>
    %dot_general3A_223 = arith.constant dense<0.000000e+00> : vector<1024x1024xf32>
    %dot_general3A_224 = tpu.matmul %mul3A_222, %convert_element_type3A, %dot_general3A_223 {dimension_numbers = #tpu.dot_dimension_numbers<[1], [1], [0], [0], [0, 0, 1, 0], [], []>, transpose_lhs_hint = false} : vector<1024x32xbf16>, vector<1024x32xbf16>, vector<1024x1024xf32> -> vector<1024x1024xf32>
    %get3A_225 = arith.constant 0 : index
    %get3A_226 = arith.constant 0 : index
    %get3A_227 = arith.constant 2048 : index
    %get3A_228 = vector.load %arg5[%get3A_225, %get3A_226, %get3A_227] : memref<1x1x8192xf32, #tpu.memory_space<vmem>>, vector<1x1x1024xf32>
    %get3A_229 = vector.shape_cast %get3A_228 : vector<1x1x1024xf32> to vector<1024xf32>
    %broadcast_in_dim3A_230 = vector.shape_cast %get3A_229 : vector<1024xf32> to vector<1024x1xf32>
    %add3A_231 = vector.broadcast %broadcast_in_dim3A : vector<1x1024xf32> to vector<1024x1024xf32>
    %add3A_232 = arith.addf %add3A_231, %dot_general3A_224 : vector<1024x1024xf32>
    %add3A_233 = vector.broadcast %broadcast_in_dim3A_230 : vector<1024x1xf32> to vector<1024x1024xf32>
    %add3A_234 = arith.addf %add3A_232, %add3A_233 : vector<1024x1024xf32>
    %slice3A_235 = vector.extract_strided_slice %add3A_234 {offsets = [0, 0], sizes = [512, 1024], strides = [1, 1]} : vector<1024x1024xf32> to vector<512x1024xf32>
    %slice3A_236 = vector.extract_strided_slice %add3A_234 {offsets = [512, 0], sizes = [512, 1024], strides = [1, 1]} : vector<1024x1024xf32> to vector<512x1024xf32>
    %lt3A_237 = arith.cmpf olt, %slice3A_236, %slice3A_235 : vector<512x1024xf32>
    %select_n3A_238 = arith.select %lt3A_237, %slice3A_236, %slice3A_235 : vector<512x1024xi1>, vector<512x1024xf32>
    %iota3A_239 = tpu.iota {dimensions = array<i32: 0>} : vector<512x1024xi32>
    %add3A_240 = arith.constant 512 : i32
    %add3A_241 = vector.broadcast %add3A_240 : i32 to vector<512x1024xi32>
    %add3A_242 = arith.addi %iota3A_239, %add3A_241 : vector<512x1024xi32>
    %select_n3A_243 = arith.select %lt3A_237, %add3A_242, %iota3A_239 : vector<512x1024xi1>, vector<512x1024xi32>
    %slice3A_244 = vector.extract_strided_slice %select_n3A_238 {offsets = [0, 0], sizes = [256, 1024], strides = [1, 1]} : vector<512x1024xf32> to vector<256x1024xf32>
    %slice3A_245 = vector.extract_strided_slice %select_n3A_238 {offsets = [256, 0], sizes = [256, 1024], strides = [1, 1]} : vector<512x1024xf32> to vector<256x1024xf32>
    %lt3A_246 = arith.cmpf olt, %slice3A_245, %slice3A_244 : vector<256x1024xf32>
    %select_n3A_247 = arith.select %lt3A_246, %slice3A_245, %slice3A_244 : vector<256x1024xi1>, vector<256x1024xf32>
    %slice3A_248 = vector.extract_strided_slice %select_n3A_243 {offsets = [256, 0], sizes = [256, 1024], strides = [1, 1]} : vector<512x1024xi32> to vector<256x1024xi32>
    %slice3A_249 = vector.extract_strided_slice %select_n3A_243 {offsets = [0, 0], sizes = [256, 1024], strides = [1, 1]} : vector<512x1024xi32> to vector<256x1024xi32>
    %select_n3A_250 = arith.select %lt3A_246, %slice3A_248, %slice3A_249 : vector<256x1024xi1>, vector<256x1024xi32>
    %slice3A_251 = vector.extract_strided_slice %select_n3A_247 {offsets = [0, 0], sizes = [128, 1024], strides = [1, 1]} : vector<256x1024xf32> to vector<128x1024xf32>
    %slice3A_252 = vector.extract_strided_slice %select_n3A_247 {offsets = [128, 0], sizes = [128, 1024], strides = [1, 1]} : vector<256x1024xf32> to vector<128x1024xf32>
    %lt3A_253 = arith.cmpf olt, %slice3A_252, %slice3A_251 : vector<128x1024xf32>
    %select_n3A_254 = arith.select %lt3A_253, %slice3A_252, %slice3A_251 : vector<128x1024xi1>, vector<128x1024xf32>
    %slice3A_255 = vector.extract_strided_slice %select_n3A_250 {offsets = [128, 0], sizes = [128, 1024], strides = [1, 1]} : vector<256x1024xi32> to vector<128x1024xi32>
    %slice3A_256 = vector.extract_strided_slice %select_n3A_250 {offsets = [0, 0], sizes = [128, 1024], strides = [1, 1]} : vector<256x1024xi32> to vector<128x1024xi32>
    %select_n3A_257 = arith.select %lt3A_253, %slice3A_255, %slice3A_256 : vector<128x1024xi1>, vector<128x1024xi32>
    %slice3A_258 = vector.extract_strided_slice %select_n3A_254 {offsets = [0, 0], sizes = [64, 1024], strides = [1, 1]} : vector<128x1024xf32> to vector<64x1024xf32>
    %slice3A_259 = vector.extract_strided_slice %select_n3A_254 {offsets = [64, 0], sizes = [64, 1024], strides = [1, 1]} : vector<128x1024xf32> to vector<64x1024xf32>
    %lt3A_260 = arith.cmpf olt, %slice3A_259, %slice3A_258 : vector<64x1024xf32>
    %select_n3A_261 = arith.select %lt3A_260, %slice3A_259, %slice3A_258 : vector<64x1024xi1>, vector<64x1024xf32>
    %slice3A_262 = vector.extract_strided_slice %select_n3A_257 {offsets = [64, 0], sizes = [64, 1024], strides = [1, 1]} : vector<128x1024xi32> to vector<64x1024xi32>
    %slice3A_263 = vector.extract_strided_slice %select_n3A_257 {offsets = [0, 0], sizes = [64, 1024], strides = [1, 1]} : vector<128x1024xi32> to vector<64x1024xi32>
    %select_n3A_264 = arith.select %lt3A_260, %slice3A_262, %slice3A_263 : vector<64x1024xi1>, vector<64x1024xi32>
    %slice3A_265 = vector.extract_strided_slice %select_n3A_261 {offsets = [0, 0], sizes = [32, 1024], strides = [1, 1]} : vector<64x1024xf32> to vector<32x1024xf32>
    %slice3A_266 = vector.extract_strided_slice %select_n3A_261 {offsets = [32, 0], sizes = [32, 1024], strides = [1, 1]} : vector<64x1024xf32> to vector<32x1024xf32>
    %lt3A_267 = arith.cmpf olt, %slice3A_266, %slice3A_265 : vector<32x1024xf32>
    %select_n3A_268 = arith.select %lt3A_267, %slice3A_266, %slice3A_265 : vector<32x1024xi1>, vector<32x1024xf32>
    %slice3A_269 = vector.extract_strided_slice %select_n3A_264 {offsets = [32, 0], sizes = [32, 1024], strides = [1, 1]} : vector<64x1024xi32> to vector<32x1024xi32>
    %slice3A_270 = vector.extract_strided_slice %select_n3A_264 {offsets = [0, 0], sizes = [32, 1024], strides = [1, 1]} : vector<64x1024xi32> to vector<32x1024xi32>
    %select_n3A_271 = arith.select %lt3A_267, %slice3A_269, %slice3A_270 : vector<32x1024xi1>, vector<32x1024xi32>
    %slice3A_272 = vector.extract_strided_slice %select_n3A_268 {offsets = [0, 0], sizes = [16, 1024], strides = [1, 1]} : vector<32x1024xf32> to vector<16x1024xf32>
    %slice3A_273 = vector.extract_strided_slice %select_n3A_268 {offsets = [16, 0], sizes = [16, 1024], strides = [1, 1]} : vector<32x1024xf32> to vector<16x1024xf32>
    %lt3A_274 = arith.cmpf olt, %slice3A_273, %slice3A_272 : vector<16x1024xf32>
    %select_n3A_275 = arith.select %lt3A_274, %slice3A_273, %slice3A_272 : vector<16x1024xi1>, vector<16x1024xf32>
    %slice3A_276 = vector.extract_strided_slice %select_n3A_271 {offsets = [16, 0], sizes = [16, 1024], strides = [1, 1]} : vector<32x1024xi32> to vector<16x1024xi32>
    %slice3A_277 = vector.extract_strided_slice %select_n3A_271 {offsets = [0, 0], sizes = [16, 1024], strides = [1, 1]} : vector<32x1024xi32> to vector<16x1024xi32>
    %select_n3A_278 = arith.select %lt3A_274, %slice3A_276, %slice3A_277 : vector<16x1024xi1>, vector<16x1024xi32>
    %slice3A_279 = vector.extract_strided_slice %select_n3A_275 {offsets = [0, 0], sizes = [8, 1024], strides = [1, 1]} : vector<16x1024xf32> to vector<8x1024xf32>
    %slice3A_280 = vector.extract_strided_slice %select_n3A_275 {offsets = [8, 0], sizes = [8, 1024], strides = [1, 1]} : vector<16x1024xf32> to vector<8x1024xf32>
    %lt3A_281 = arith.cmpf olt, %slice3A_280, %slice3A_279 : vector<8x1024xf32>
    %select_n3A_282 = arith.select %lt3A_281, %slice3A_280, %slice3A_279 : vector<8x1024xi1>, vector<8x1024xf32>
    %slice3A_283 = vector.extract_strided_slice %select_n3A_278 {offsets = [8, 0], sizes = [8, 1024], strides = [1, 1]} : vector<16x1024xi32> to vector<8x1024xi32>
    %slice3A_284 = vector.extract_strided_slice %select_n3A_278 {offsets = [0, 0], sizes = [8, 1024], strides = [1, 1]} : vector<16x1024xi32> to vector<8x1024xi32>
    %select_n3A_285 = arith.select %lt3A_281, %slice3A_283, %slice3A_284 : vector<8x1024xi1>, vector<8x1024xi32>
    %slice3A_286 = vector.extract_strided_slice %select_n3A_282 {offsets = [0, 0], sizes = [4, 1024], strides = [1, 1]} : vector<8x1024xf32> to vector<4x1024xf32>
    %slice3A_287 = vector.extract_strided_slice %select_n3A_282 {offsets = [4, 0], sizes = [4, 1024], strides = [1, 1]} : vector<8x1024xf32> to vector<4x1024xf32>
    %lt3A_288 = arith.cmpf olt, %slice3A_287, %slice3A_286 : vector<4x1024xf32>
    %select_n3A_289 = arith.select %lt3A_288, %slice3A_287, %slice3A_286 : vector<4x1024xi1>, vector<4x1024xf32>
    %slice3A_290 = vector.extract_strided_slice %select_n3A_285 {offsets = [4, 0], sizes = [4, 1024], strides = [1, 1]} : vector<8x1024xi32> to vector<4x1024xi32>
    %slice3A_291 = vector.extract_strided_slice %select_n3A_285 {offsets = [0, 0], sizes = [4, 1024], strides = [1, 1]} : vector<8x1024xi32> to vector<4x1024xi32>
    %select_n3A_292 = arith.select %lt3A_288, %slice3A_290, %slice3A_291 : vector<4x1024xi1>, vector<4x1024xi32>
    %slice3A_293 = vector.extract_strided_slice %select_n3A_289 {offsets = [0, 0], sizes = [2, 1024], strides = [1, 1]} : vector<4x1024xf32> to vector<2x1024xf32>
    %slice3A_294 = vector.extract_strided_slice %select_n3A_289 {offsets = [2, 0], sizes = [2, 1024], strides = [1, 1]} : vector<4x1024xf32> to vector<2x1024xf32>
    %lt3A_295 = arith.cmpf olt, %slice3A_294, %slice3A_293 : vector<2x1024xf32>
    %select_n3A_296 = arith.select %lt3A_295, %slice3A_294, %slice3A_293 : vector<2x1024xi1>, vector<2x1024xf32>
    %slice3A_297 = vector.extract_strided_slice %select_n3A_292 {offsets = [2, 0], sizes = [2, 1024], strides = [1, 1]} : vector<4x1024xi32> to vector<2x1024xi32>
    %slice3A_298 = vector.extract_strided_slice %select_n3A_292 {offsets = [0, 0], sizes = [2, 1024], strides = [1, 1]} : vector<4x1024xi32> to vector<2x1024xi32>
    %select_n3A_299 = arith.select %lt3A_295, %slice3A_297, %slice3A_298 : vector<2x1024xi1>, vector<2x1024xi32>
    %slice3A_300 = vector.extract_strided_slice %select_n3A_296 {offsets = [0, 0], sizes = [1, 1024], strides = [1, 1]} : vector<2x1024xf32> to vector<1x1024xf32>
    %slice3A_301 = vector.extract_strided_slice %select_n3A_296 {offsets = [1, 0], sizes = [1, 1024], strides = [1, 1]} : vector<2x1024xf32> to vector<1x1024xf32>
    %lt3A_302 = arith.cmpf olt, %slice3A_301, %slice3A_300 : vector<1x1024xf32>
    %select_n3A_303 = arith.select %lt3A_302, %slice3A_301, %slice3A_300 : vector<1x1024xi1>, vector<1x1024xf32>
    %slice3A_304 = vector.extract_strided_slice %select_n3A_299 {offsets = [1, 0], sizes = [1, 1024], strides = [1, 1]} : vector<2x1024xi32> to vector<1x1024xi32>
    %slice3A_305 = vector.extract_strided_slice %select_n3A_299 {offsets = [0, 0], sizes = [1, 1024], strides = [1, 1]} : vector<2x1024xi32> to vector<1x1024xi32>
    %select_n3A_306 = arith.select %lt3A_302, %slice3A_304, %slice3A_305 : vector<1x1024xi1>, vector<1x1024xi32>
    %squeeze3A_307 = vector.shape_cast %select_n3A_303 : vector<1x1024xf32> to vector<1024xf32>
    %squeeze3A_308 = vector.shape_cast %select_n3A_306 : vector<1x1024xi32> to vector<1024xi32>
    %add3A_309 = arith.constant 2048 : i32
    %add3A_310 = vector.broadcast %add3A_309 : i32 to vector<1024xi32>
    %add3A_311 = arith.addi %squeeze3A_308, %add3A_310 : vector<1024xi32>
    %convert_element_type3A_312 = arith.truncf %select_n3A_212 : vector<1024xf32> to vector<1024xbf16>
    %convert_element_type3A_313 = arith.extf %convert_element_type3A_312 : vector<1024xbf16> to vector<1024xf32>
    %jit3A_314 = arith.constant false
    %select_n3A_315 = arith.select %jit3A_314, %convert_element_type3A_313, %select_n3A_212 : vector<1024xf32>
    %lt3A_316 = arith.cmpf olt, %squeeze3A_307, %select_n3A_315 : vector<1024xf32>
    %select_n3A_317 = arith.select %lt3A_316, %squeeze3A_307, %select_n3A_315 : vector<1024xi1>, vector<1024xf32>
    %select_n3A_318 = arith.select %lt3A_316, %add3A_311, %select_n3A_213 : vector<1024xi1>, vector<1024xi32>
    %get3A_319 = arith.constant 0 : index
    %get3A_320 = arith.constant 3072 : index
    %get3A_321 = arith.constant 0 : index
    %get3A_322 = vector.load %arg3[%get3A_319, %get3A_320, %get3A_321] : memref<1x8192x32xf32, #tpu.memory_space<vmem>>, vector<1x1024x32xf32>
    %get3A_323 = vector.shape_cast %get3A_322 : vector<1x1024x32xf32> to vector<1024x32xf32>
    %convert_element_type3A_324 = arith.truncf %get3A_323 : vector<1024x32xf32> to vector<1024x32xbf16>
    %mul3A_325 = arith.constant -2.000000e+00 : bf16
    %mul3A_326 = vector.broadcast %mul3A_325 : bf16 to vector<1024x32xbf16>
    %mul3A_327 = arith.mulf %convert_element_type3A_324, %mul3A_326 : vector<1024x32xbf16>
    %dot_general3A_328 = arith.constant dense<0.000000e+00> : vector<1024x1024xf32>
    %dot_general3A_329 = tpu.matmul %mul3A_327, %convert_element_type3A, %dot_general3A_328 {dimension_numbers = #tpu.dot_dimension_numbers<[1], [1], [0], [0], [0, 0, 1, 0], [], []>, transpose_lhs_hint = false} : vector<1024x32xbf16>, vector<1024x32xbf16>, vector<1024x1024xf32> -> vector<1024x1024xf32>
    %get3A_330 = arith.constant 0 : index
    %get3A_331 = arith.constant 0 : index
    %get3A_332 = arith.constant 3072 : index
    %get3A_333 = vector.load %arg5[%get3A_330, %get3A_331, %get3A_332] : memref<1x1x8192xf32, #tpu.memory_space<vmem>>, vector<1x1x1024xf32>
    %get3A_334 = vector.shape_cast %get3A_333 : vector<1x1x1024xf32> to vector<1024xf32>
    %broadcast_in_dim3A_335 = vector.shape_cast %get3A_334 : vector<1024xf32> to vector<1024x1xf32>
    %add3A_336 = vector.broadcast %broadcast_in_dim3A : vector<1x1024xf32> to vector<1024x1024xf32>
    %add3A_337 = arith.addf %add3A_336, %dot_general3A_329 : vector<1024x1024xf32>
    %add3A_338 = vector.broadcast %broadcast_in_dim3A_335 : vector<1024x1xf32> to vector<1024x1024xf32>
    %add3A_339 = arith.addf %add3A_337, %add3A_338 : vector<1024x1024xf32>
    %slice3A_340 = vector.extract_strided_slice %add3A_339 {offsets = [0, 0], sizes = [512, 1024], strides = [1, 1]} : vector<1024x1024xf32> to vector<512x1024xf32>
    %slice3A_341 = vector.extract_strided_slice %add3A_339 {offsets = [512, 0], sizes = [512, 1024], strides = [1, 1]} : vector<1024x1024xf32> to vector<512x1024xf32>
    %lt3A_342 = arith.cmpf olt, %slice3A_341, %slice3A_340 : vector<512x1024xf32>
    %select_n3A_343 = arith.select %lt3A_342, %slice3A_341, %slice3A_340 : vector<512x1024xi1>, vector<512x1024xf32>
    %iota3A_344 = tpu.iota {dimensions = array<i32: 0>} : vector<512x1024xi32>
    %add3A_345 = arith.constant 512 : i32
    %add3A_346 = vector.broadcast %add3A_345 : i32 to vector<512x1024xi32>
    %add3A_347 = arith.addi %iota3A_344, %add3A_346 : vector<512x1024xi32>
    %select_n3A_348 = arith.select %lt3A_342, %add3A_347, %iota3A_344 : vector<512x1024xi1>, vector<512x1024xi32>
    %slice3A_349 = vector.extract_strided_slice %select_n3A_343 {offsets = [0, 0], sizes = [256, 1024], strides = [1, 1]} : vector<512x1024xf32> to vector<256x1024xf32>
    %slice3A_350 = vector.extract_strided_slice %select_n3A_343 {offsets = [256, 0], sizes = [256, 1024], strides = [1, 1]} : vector<512x1024xf32> to vector<256x1024xf32>
    %lt3A_351 = arith.cmpf olt, %slice3A_350, %slice3A_349 : vector<256x1024xf32>
    %select_n3A_352 = arith.select %lt3A_351, %slice3A_350, %slice3A_349 : vector<256x1024xi1>, vector<256x1024xf32>
    %slice3A_353 = vector.extract_strided_slice %select_n3A_348 {offsets = [256, 0], sizes = [256, 1024], strides = [1, 1]} : vector<512x1024xi32> to vector<256x1024xi32>
    %slice3A_354 = vector.extract_strided_slice %select_n3A_348 {offsets = [0, 0], sizes = [256, 1024], strides = [1, 1]} : vector<512x1024xi32> to vector<256x1024xi32>
    %select_n3A_355 = arith.select %lt3A_351, %slice3A_353, %slice3A_354 : vector<256x1024xi1>, vector<256x1024xi32>
    %slice3A_356 = vector.extract_strided_slice %select_n3A_352 {offsets = [0, 0], sizes = [128, 1024], strides = [1, 1]} : vector<256x1024xf32> to vector<128x1024xf32>
    %slice3A_357 = vector.extract_strided_slice %select_n3A_352 {offsets = [128, 0], sizes = [128, 1024], strides = [1, 1]} : vector<256x1024xf32> to vector<128x1024xf32>
    %lt3A_358 = arith.cmpf olt, %slice3A_357, %slice3A_356 : vector<128x1024xf32>
    %select_n3A_359 = arith.select %lt3A_358, %slice3A_357, %slice3A_356 : vector<128x1024xi1>, vector<128x1024xf32>
    %slice3A_360 = vector.extract_strided_slice %select_n3A_355 {offsets = [128, 0], sizes = [128, 1024], strides = [1, 1]} : vector<256x1024xi32> to vector<128x1024xi32>
    %slice3A_361 = vector.extract_strided_slice %select_n3A_355 {offsets = [0, 0], sizes = [128, 1024], strides = [1, 1]} : vector<256x1024xi32> to vector<128x1024xi32>
    %select_n3A_362 = arith.select %lt3A_358, %slice3A_360, %slice3A_361 : vector<128x1024xi1>, vector<128x1024xi32>
    %slice3A_363 = vector.extract_strided_slice %select_n3A_359 {offsets = [0, 0], sizes = [64, 1024], strides = [1, 1]} : vector<128x1024xf32> to vector<64x1024xf32>
    %slice3A_364 = vector.extract_strided_slice %select_n3A_359 {offsets = [64, 0], sizes = [64, 1024], strides = [1, 1]} : vector<128x1024xf32> to vector<64x1024xf32>
    %lt3A_365 = arith.cmpf olt, %slice3A_364, %slice3A_363 : vector<64x1024xf32>
    %select_n3A_366 = arith.select %lt3A_365, %slice3A_364, %slice3A_363 : vector<64x1024xi1>, vector<64x1024xf32>
    %slice3A_367 = vector.extract_strided_slice %select_n3A_362 {offsets = [64, 0], sizes = [64, 1024], strides = [1, 1]} : vector<128x1024xi32> to vector<64x1024xi32>
    %slice3A_368 = vector.extract_strided_slice %select_n3A_362 {offsets = [0, 0], sizes = [64, 1024], strides = [1, 1]} : vector<128x1024xi32> to vector<64x1024xi32>
    %select_n3A_369 = arith.select %lt3A_365, %slice3A_367, %slice3A_368 : vector<64x1024xi1>, vector<64x1024xi32>
    %slice3A_370 = vector.extract_strided_slice %select_n3A_366 {offsets = [0, 0], sizes = [32, 1024], strides = [1, 1]} : vector<64x1024xf32> to vector<32x1024xf32>
    %slice3A_371 = vector.extract_strided_slice %select_n3A_366 {offsets = [32, 0], sizes = [32, 1024], strides = [1, 1]} : vector<64x1024xf32> to vector<32x1024xf32>
    %lt3A_372 = arith.cmpf olt, %slice3A_371, %slice3A_370 : vector<32x1024xf32>
    %select_n3A_373 = arith.select %lt3A_372, %slice3A_371, %slice3A_370 : vector<32x1024xi1>, vector<32x1024xf32>
    %slice3A_374 = vector.extract_strided_slice %select_n3A_369 {offsets = [32, 0], sizes = [32, 1024], strides = [1, 1]} : vector<64x1024xi32> to vector<32x1024xi32>
    %slice3A_375 = vector.extract_strided_slice %select_n3A_369 {offsets = [0, 0], sizes = [32, 1024], strides = [1, 1]} : vector<64x1024xi32> to vector<32x1024xi32>
    %select_n3A_376 = arith.select %lt3A_372, %slice3A_374, %slice3A_375 : vector<32x1024xi1>, vector<32x1024xi32>
    %slice3A_377 = vector.extract_strided_slice %select_n3A_373 {offsets = [0, 0], sizes = [16, 1024], strides = [1, 1]} : vector<32x1024xf32> to vector<16x1024xf32>
    %slice3A_378 = vector.extract_strided_slice %select_n3A_373 {offsets = [16, 0], sizes = [16, 1024], strides = [1, 1]} : vector<32x1024xf32> to vector<16x1024xf32>
    %lt3A_379 = arith.cmpf olt, %slice3A_378, %slice3A_377 : vector<16x1024xf32>
    %select_n3A_380 = arith.select %lt3A_379, %slice3A_378, %slice3A_377 : vector<16x1024xi1>, vector<16x1024xf32>
    %slice3A_381 = vector.extract_strided_slice %select_n3A_376 {offsets = [16, 0], sizes = [16, 1024], strides = [1, 1]} : vector<32x1024xi32> to vector<16x1024xi32>
    %slice3A_382 = vector.extract_strided_slice %select_n3A_376 {offsets = [0, 0], sizes = [16, 1024], strides = [1, 1]} : vector<32x1024xi32> to vector<16x1024xi32>
    %select_n3A_383 = arith.select %lt3A_379, %slice3A_381, %slice3A_382 : vector<16x1024xi1>, vector<16x1024xi32>
    %slice3A_384 = vector.extract_strided_slice %select_n3A_380 {offsets = [0, 0], sizes = [8, 1024], strides = [1, 1]} : vector<16x1024xf32> to vector<8x1024xf32>
    %slice3A_385 = vector.extract_strided_slice %select_n3A_380 {offsets = [8, 0], sizes = [8, 1024], strides = [1, 1]} : vector<16x1024xf32> to vector<8x1024xf32>
    %lt3A_386 = arith.cmpf olt, %slice3A_385, %slice3A_384 : vector<8x1024xf32>
    %select_n3A_387 = arith.select %lt3A_386, %slice3A_385, %slice3A_384 : vector<8x1024xi1>, vector<8x1024xf32>
    %slice3A_388 = vector.extract_strided_slice %select_n3A_383 {offsets = [8, 0], sizes = [8, 1024], strides = [1, 1]} : vector<16x1024xi32> to vector<8x1024xi32>
    %slice3A_389 = vector.extract_strided_slice %select_n3A_383 {offsets = [0, 0], sizes = [8, 1024], strides = [1, 1]} : vector<16x1024xi32> to vector<8x1024xi32>
    %select_n3A_390 = arith.select %lt3A_386, %slice3A_388, %slice3A_389 : vector<8x1024xi1>, vector<8x1024xi32>
    %slice3A_391 = vector.extract_strided_slice %select_n3A_387 {offsets = [0, 0], sizes = [4, 1024], strides = [1, 1]} : vector<8x1024xf32> to vector<4x1024xf32>
    %slice3A_392 = vector.extract_strided_slice %select_n3A_387 {offsets = [4, 0], sizes = [4, 1024], strides = [1, 1]} : vector<8x1024xf32> to vector<4x1024xf32>
    %lt3A_393 = arith.cmpf olt, %slice3A_392, %slice3A_391 : vector<4x1024xf32>
    %select_n3A_394 = arith.select %lt3A_393, %slice3A_392, %slice3A_391 : vector<4x1024xi1>, vector<4x1024xf32>
    %slice3A_395 = vector.extract_strided_slice %select_n3A_390 {offsets = [4, 0], sizes = [4, 1024], strides = [1, 1]} : vector<8x1024xi32> to vector<4x1024xi32>
    %slice3A_396 = vector.extract_strided_slice %select_n3A_390 {offsets = [0, 0], sizes = [4, 1024], strides = [1, 1]} : vector<8x1024xi32> to vector<4x1024xi32>
    %select_n3A_397 = arith.select %lt3A_393, %slice3A_395, %slice3A_396 : vector<4x1024xi1>, vector<4x1024xi32>
    %slice3A_398 = vector.extract_strided_slice %select_n3A_394 {offsets = [0, 0], sizes = [2, 1024], strides = [1, 1]} : vector<4x1024xf32> to vector<2x1024xf32>
    %slice3A_399 = vector.extract_strided_slice %select_n3A_394 {offsets = [2, 0], sizes = [2, 1024], strides = [1, 1]} : vector<4x1024xf32> to vector<2x1024xf32>
    %lt3A_400 = arith.cmpf olt, %slice3A_399, %slice3A_398 : vector<2x1024xf32>
    %select_n3A_401 = arith.select %lt3A_400, %slice3A_399, %slice3A_398 : vector<2x1024xi1>, vector<2x1024xf32>
    %slice3A_402 = vector.extract_strided_slice %select_n3A_397 {offsets = [2, 0], sizes = [2, 1024], strides = [1, 1]} : vector<4x1024xi32> to vector<2x1024xi32>
    %slice3A_403 = vector.extract_strided_slice %select_n3A_397 {offsets = [0, 0], sizes = [2, 1024], strides = [1, 1]} : vector<4x1024xi32> to vector<2x1024xi32>
    %select_n3A_404 = arith.select %lt3A_400, %slice3A_402, %slice3A_403 : vector<2x1024xi1>, vector<2x1024xi32>
    %slice3A_405 = vector.extract_strided_slice %select_n3A_401 {offsets = [0, 0], sizes = [1, 1024], strides = [1, 1]} : vector<2x1024xf32> to vector<1x1024xf32>
    %slice3A_406 = vector.extract_strided_slice %select_n3A_401 {offsets = [1, 0], sizes = [1, 1024], strides = [1, 1]} : vector<2x1024xf32> to vector<1x1024xf32>
    %lt3A_407 = arith.cmpf olt, %slice3A_406, %slice3A_405 : vector<1x1024xf32>
    %select_n3A_408 = arith.select %lt3A_407, %slice3A_406, %slice3A_405 : vector<1x1024xi1>, vector<1x1024xf32>
    %slice3A_409 = vector.extract_strided_slice %select_n3A_404 {offsets = [1, 0], sizes = [1, 1024], strides = [1, 1]} : vector<2x1024xi32> to vector<1x1024xi32>
    %slice3A_410 = vector.extract_strided_slice %select_n3A_404 {offsets = [0, 0], sizes = [1, 1024], strides = [1, 1]} : vector<2x1024xi32> to vector<1x1024xi32>
    %select_n3A_411 = arith.select %lt3A_407, %slice3A_409, %slice3A_410 : vector<1x1024xi1>, vector<1x1024xi32>
    %squeeze3A_412 = vector.shape_cast %select_n3A_408 : vector<1x1024xf32> to vector<1024xf32>
    %squeeze3A_413 = vector.shape_cast %select_n3A_411 : vector<1x1024xi32> to vector<1024xi32>
    %add3A_414 = arith.constant 3072 : i32
    %add3A_415 = vector.broadcast %add3A_414 : i32 to vector<1024xi32>
    %add3A_416 = arith.addi %squeeze3A_413, %add3A_415 : vector<1024xi32>
    %convert_element_type3A_417 = arith.truncf %select_n3A_317 : vector<1024xf32> to vector<1024xbf16>
    %convert_element_type3A_418 = arith.extf %convert_element_type3A_417 : vector<1024xbf16> to vector<1024xf32>
    %jit3A_419 = arith.constant false
    %select_n3A_420 = arith.select %jit3A_419, %convert_element_type3A_418, %select_n3A_317 : vector<1024xf32>
    %lt3A_421 = arith.cmpf olt, %squeeze3A_412, %select_n3A_420 : vector<1024xf32>
    %select_n3A_422 = arith.select %lt3A_421, %squeeze3A_412, %select_n3A_420 : vector<1024xi1>, vector<1024xf32>
    %select_n3A_423 = arith.select %lt3A_421, %add3A_416, %select_n3A_318 : vector<1024xi1>, vector<1024xi32>
    %get3A_424 = arith.constant 0 : index
    %get3A_425 = arith.constant 4096 : index
    %get3A_426 = arith.constant 0 : index
    %get3A_427 = vector.load %arg3[%get3A_424, %get3A_425, %get3A_426] : memref<1x8192x32xf32, #tpu.memory_space<vmem>>, vector<1x1024x32xf32>
    %get3A_428 = vector.shape_cast %get3A_427 : vector<1x1024x32xf32> to vector<1024x32xf32>
    %convert_element_type3A_429 = arith.truncf %get3A_428 : vector<1024x32xf32> to vector<1024x32xbf16>
    %mul3A_430 = arith.constant -2.000000e+00 : bf16
    %mul3A_431 = vector.broadcast %mul3A_430 : bf16 to vector<1024x32xbf16>
    %mul3A_432 = arith.mulf %convert_element_type3A_429, %mul3A_431 : vector<1024x32xbf16>
    %dot_general3A_433 = arith.constant dense<0.000000e+00> : vector<1024x1024xf32>
    %dot_general3A_434 = tpu.matmul %mul3A_432, %convert_element_type3A, %dot_general3A_433 {dimension_numbers = #tpu.dot_dimension_numbers<[1], [1], [0], [0], [0, 0, 1, 0], [], []>, transpose_lhs_hint = false} : vector<1024x32xbf16>, vector<1024x32xbf16>, vector<1024x1024xf32> -> vector<1024x1024xf32>
    %get3A_435 = arith.constant 0 : index
    %get3A_436 = arith.constant 0 : index
    %get3A_437 = arith.constant 4096 : index
    %get3A_438 = vector.load %arg5[%get3A_435, %get3A_436, %get3A_437] : memref<1x1x8192xf32, #tpu.memory_space<vmem>>, vector<1x1x1024xf32>
    %get3A_439 = vector.shape_cast %get3A_438 : vector<1x1x1024xf32> to vector<1024xf32>
    %broadcast_in_dim3A_440 = vector.shape_cast %get3A_439 : vector<1024xf32> to vector<1024x1xf32>
    %add3A_441 = vector.broadcast %broadcast_in_dim3A : vector<1x1024xf32> to vector<1024x1024xf32>
    %add3A_442 = arith.addf %add3A_441, %dot_general3A_434 : vector<1024x1024xf32>
    %add3A_443 = vector.broadcast %broadcast_in_dim3A_440 : vector<1024x1xf32> to vector<1024x1024xf32>
    %add3A_444 = arith.addf %add3A_442, %add3A_443 : vector<1024x1024xf32>
    %slice3A_445 = vector.extract_strided_slice %add3A_444 {offsets = [0, 0], sizes = [512, 1024], strides = [1, 1]} : vector<1024x1024xf32> to vector<512x1024xf32>
    %slice3A_446 = vector.extract_strided_slice %add3A_444 {offsets = [512, 0], sizes = [512, 1024], strides = [1, 1]} : vector<1024x1024xf32> to vector<512x1024xf32>
    %lt3A_447 = arith.cmpf olt, %slice3A_446, %slice3A_445 : vector<512x1024xf32>
    %select_n3A_448 = arith.select %lt3A_447, %slice3A_446, %slice3A_445 : vector<512x1024xi1>, vector<512x1024xf32>
    %iota3A_449 = tpu.iota {dimensions = array<i32: 0>} : vector<512x1024xi32>
    %add3A_450 = arith.constant 512 : i32
    %add3A_451 = vector.broadcast %add3A_450 : i32 to vector<512x1024xi32>
    %add3A_452 = arith.addi %iota3A_449, %add3A_451 : vector<512x1024xi32>
    %select_n3A_453 = arith.select %lt3A_447, %add3A_452, %iota3A_449 : vector<512x1024xi1>, vector<512x1024xi32>
    %slice3A_454 = vector.extract_strided_slice %select_n3A_448 {offsets = [0, 0], sizes = [256, 1024], strides = [1, 1]} : vector<512x1024xf32> to vector<256x1024xf32>
    %slice3A_455 = vector.extract_strided_slice %select_n3A_448 {offsets = [256, 0], sizes = [256, 1024], strides = [1, 1]} : vector<512x1024xf32> to vector<256x1024xf32>
    %lt3A_456 = arith.cmpf olt, %slice3A_455, %slice3A_454 : vector<256x1024xf32>
    %select_n3A_457 = arith.select %lt3A_456, %slice3A_455, %slice3A_454 : vector<256x1024xi1>, vector<256x1024xf32>
    %slice3A_458 = vector.extract_strided_slice %select_n3A_453 {offsets = [256, 0], sizes = [256, 1024], strides = [1, 1]} : vector<512x1024xi32> to vector<256x1024xi32>
    %slice3A_459 = vector.extract_strided_slice %select_n3A_453 {offsets = [0, 0], sizes = [256, 1024], strides = [1, 1]} : vector<512x1024xi32> to vector<256x1024xi32>
    %select_n3A_460 = arith.select %lt3A_456, %slice3A_458, %slice3A_459 : vector<256x1024xi1>, vector<256x1024xi32>
    %slice3A_461 = vector.extract_strided_slice %select_n3A_457 {offsets = [0, 0], sizes = [128, 1024], strides = [1, 1]} : vector<256x1024xf32> to vector<128x1024xf32>
    %slice3A_462 = vector.extract_strided_slice %select_n3A_457 {offsets = [128, 0], sizes = [128, 1024], strides = [1, 1]} : vector<256x1024xf32> to vector<128x1024xf32>
    %lt3A_463 = arith.cmpf olt, %slice3A_462, %slice3A_461 : vector<128x1024xf32>
    %select_n3A_464 = arith.select %lt3A_463, %slice3A_462, %slice3A_461 : vector<128x1024xi1>, vector<128x1024xf32>
    %slice3A_465 = vector.extract_strided_slice %select_n3A_460 {offsets = [128, 0], sizes = [128, 1024], strides = [1, 1]} : vector<256x1024xi32> to vector<128x1024xi32>
    %slice3A_466 = vector.extract_strided_slice %select_n3A_460 {offsets = [0, 0], sizes = [128, 1024], strides = [1, 1]} : vector<256x1024xi32> to vector<128x1024xi32>
    %select_n3A_467 = arith.select %lt3A_463, %slice3A_465, %slice3A_466 : vector<128x1024xi1>, vector<128x1024xi32>
    %slice3A_468 = vector.extract_strided_slice %select_n3A_464 {offsets = [0, 0], sizes = [64, 1024], strides = [1, 1]} : vector<128x1024xf32> to vector<64x1024xf32>
    %slice3A_469 = vector.extract_strided_slice %select_n3A_464 {offsets = [64, 0], sizes = [64, 1024], strides = [1, 1]} : vector<128x1024xf32> to vector<64x1024xf32>
    %lt3A_470 = arith.cmpf olt, %slice3A_469, %slice3A_468 : vector<64x1024xf32>
    %select_n3A_471 = arith.select %lt3A_470, %slice3A_469, %slice3A_468 : vector<64x1024xi1>, vector<64x1024xf32>
    %slice3A_472 = vector.extract_strided_slice %select_n3A_467 {offsets = [64, 0], sizes = [64, 1024], strides = [1, 1]} : vector<128x1024xi32> to vector<64x1024xi32>
    %slice3A_473 = vector.extract_strided_slice %select_n3A_467 {offsets = [0, 0], sizes = [64, 1024], strides = [1, 1]} : vector<128x1024xi32> to vector<64x1024xi32>
    %select_n3A_474 = arith.select %lt3A_470, %slice3A_472, %slice3A_473 : vector<64x1024xi1>, vector<64x1024xi32>
    %slice3A_475 = vector.extract_strided_slice %select_n3A_471 {offsets = [0, 0], sizes = [32, 1024], strides = [1, 1]} : vector<64x1024xf32> to vector<32x1024xf32>
    %slice3A_476 = vector.extract_strided_slice %select_n3A_471 {offsets = [32, 0], sizes = [32, 1024], strides = [1, 1]} : vector<64x1024xf32> to vector<32x1024xf32>
    %lt3A_477 = arith.cmpf olt, %slice3A_476, %slice3A_475 : vector<32x1024xf32>
    %select_n3A_478 = arith.select %lt3A_477, %slice3A_476, %slice3A_475 : vector<32x1024xi1>, vector<32x1024xf32>
    %slice3A_479 = vector.extract_strided_slice %select_n3A_474 {offsets = [32, 0], sizes = [32, 1024], strides = [1, 1]} : vector<64x1024xi32> to vector<32x1024xi32>
    %slice3A_480 = vector.extract_strided_slice %select_n3A_474 {offsets = [0, 0], sizes = [32, 1024], strides = [1, 1]} : vector<64x1024xi32> to vector<32x1024xi32>
    %select_n3A_481 = arith.select %lt3A_477, %slice3A_479, %slice3A_480 : vector<32x1024xi1>, vector<32x1024xi32>
    %slice3A_482 = vector.extract_strided_slice %select_n3A_478 {offsets = [0, 0], sizes = [16, 1024], strides = [1, 1]} : vector<32x1024xf32> to vector<16x1024xf32>
    %slice3A_483 = vector.extract_strided_slice %select_n3A_478 {offsets = [16, 0], sizes = [16, 1024], strides = [1, 1]} : vector<32x1024xf32> to vector<16x1024xf32>
    %lt3A_484 = arith.cmpf olt, %slice3A_483, %slice3A_482 : vector<16x1024xf32>
    %select_n3A_485 = arith.select %lt3A_484, %slice3A_483, %slice3A_482 : vector<16x1024xi1>, vector<16x1024xf32>
    %slice3A_486 = vector.extract_strided_slice %select_n3A_481 {offsets = [16, 0], sizes = [16, 1024], strides = [1, 1]} : vector<32x1024xi32> to vector<16x1024xi32>
    %slice3A_487 = vector.extract_strided_slice %select_n3A_481 {offsets = [0, 0], sizes = [16, 1024], strides = [1, 1]} : vector<32x1024xi32> to vector<16x1024xi32>
    %select_n3A_488 = arith.select %lt3A_484, %slice3A_486, %slice3A_487 : vector<16x1024xi1>, vector<16x1024xi32>
    %slice3A_489 = vector.extract_strided_slice %select_n3A_485 {offsets = [0, 0], sizes = [8, 1024], strides = [1, 1]} : vector<16x1024xf32> to vector<8x1024xf32>
    %slice3A_490 = vector.extract_strided_slice %select_n3A_485 {offsets = [8, 0], sizes = [8, 1024], strides = [1, 1]} : vector<16x1024xf32> to vector<8x1024xf32>
    %lt3A_491 = arith.cmpf olt, %slice3A_490, %slice3A_489 : vector<8x1024xf32>
    %select_n3A_492 = arith.select %lt3A_491, %slice3A_490, %slice3A_489 : vector<8x1024xi1>, vector<8x1024xf32>
    %slice3A_493 = vector.extract_strided_slice %select_n3A_488 {offsets = [8, 0], sizes = [8, 1024], strides = [1, 1]} : vector<16x1024xi32> to vector<8x1024xi32>
    %slice3A_494 = vector.extract_strided_slice %select_n3A_488 {offsets = [0, 0], sizes = [8, 1024], strides = [1, 1]} : vector<16x1024xi32> to vector<8x1024xi32>
    %select_n3A_495 = arith.select %lt3A_491, %slice3A_493, %slice3A_494 : vector<8x1024xi1>, vector<8x1024xi32>
    %slice3A_496 = vector.extract_strided_slice %select_n3A_492 {offsets = [0, 0], sizes = [4, 1024], strides = [1, 1]} : vector<8x1024xf32> to vector<4x1024xf32>
    %slice3A_497 = vector.extract_strided_slice %select_n3A_492 {offsets = [4, 0], sizes = [4, 1024], strides = [1, 1]} : vector<8x1024xf32> to vector<4x1024xf32>
    %lt3A_498 = arith.cmpf olt, %slice3A_497, %slice3A_496 : vector<4x1024xf32>
    %select_n3A_499 = arith.select %lt3A_498, %slice3A_497, %slice3A_496 : vector<4x1024xi1>, vector<4x1024xf32>
    %slice3A_500 = vector.extract_strided_slice %select_n3A_495 {offsets = [4, 0], sizes = [4, 1024], strides = [1, 1]} : vector<8x1024xi32> to vector<4x1024xi32>
    %slice3A_501 = vector.extract_strided_slice %select_n3A_495 {offsets = [0, 0], sizes = [4, 1024], strides = [1, 1]} : vector<8x1024xi32> to vector<4x1024xi32>
    %select_n3A_502 = arith.select %lt3A_498, %slice3A_500, %slice3A_501 : vector<4x1024xi1>, vector<4x1024xi32>
    %slice3A_503 = vector.extract_strided_slice %select_n3A_499 {offsets = [0, 0], sizes = [2, 1024], strides = [1, 1]} : vector<4x1024xf32> to vector<2x1024xf32>
    %slice3A_504 = vector.extract_strided_slice %select_n3A_499 {offsets = [2, 0], sizes = [2, 1024], strides = [1, 1]} : vector<4x1024xf32> to vector<2x1024xf32>
    %lt3A_505 = arith.cmpf olt, %slice3A_504, %slice3A_503 : vector<2x1024xf32>
    %select_n3A_506 = arith.select %lt3A_505, %slice3A_504, %slice3A_503 : vector<2x1024xi1>, vector<2x1024xf32>
    %slice3A_507 = vector.extract_strided_slice %select_n3A_502 {offsets = [2, 0], sizes = [2, 1024], strides = [1, 1]} : vector<4x1024xi32> to vector<2x1024xi32>
    %slice3A_508 = vector.extract_strided_slice %select_n3A_502 {offsets = [0, 0], sizes = [2, 1024], strides = [1, 1]} : vector<4x1024xi32> to vector<2x1024xi32>
    %select_n3A_509 = arith.select %lt3A_505, %slice3A_507, %slice3A_508 : vector<2x1024xi1>, vector<2x1024xi32>
    %slice3A_510 = vector.extract_strided_slice %select_n3A_506 {offsets = [0, 0], sizes = [1, 1024], strides = [1, 1]} : vector<2x1024xf32> to vector<1x1024xf32>
    %slice3A_511 = vector.extract_strided_slice %select_n3A_506 {offsets = [1, 0], sizes = [1, 1024], strides = [1, 1]} : vector<2x1024xf32> to vector<1x1024xf32>
    %lt3A_512 = arith.cmpf olt, %slice3A_511, %slice3A_510 : vector<1x1024xf32>
    %select_n3A_513 = arith.select %lt3A_512, %slice3A_511, %slice3A_510 : vector<1x1024xi1>, vector<1x1024xf32>
    %slice3A_514 = vector.extract_strided_slice %select_n3A_509 {offsets = [1, 0], sizes = [1, 1024], strides = [1, 1]} : vector<2x1024xi32> to vector<1x1024xi32>
    %slice3A_515 = vector.extract_strided_slice %select_n3A_509 {offsets = [0, 0], sizes = [1, 1024], strides = [1, 1]} : vector<2x1024xi32> to vector<1x1024xi32>
    %select_n3A_516 = arith.select %lt3A_512, %slice3A_514, %slice3A_515 : vector<1x1024xi1>, vector<1x1024xi32>
    %squeeze3A_517 = vector.shape_cast %select_n3A_513 : vector<1x1024xf32> to vector<1024xf32>
    %squeeze3A_518 = vector.shape_cast %select_n3A_516 : vector<1x1024xi32> to vector<1024xi32>
    %add3A_519 = arith.constant 4096 : i32
    %add3A_520 = vector.broadcast %add3A_519 : i32 to vector<1024xi32>
    %add3A_521 = arith.addi %squeeze3A_518, %add3A_520 : vector<1024xi32>
    %convert_element_type3A_522 = arith.truncf %select_n3A_422 : vector<1024xf32> to vector<1024xbf16>
    %convert_element_type3A_523 = arith.extf %convert_element_type3A_522 : vector<1024xbf16> to vector<1024xf32>
    %jit3A_524 = arith.constant true
    %select_n3A_525 = arith.select %jit3A_524, %convert_element_type3A_523, %select_n3A_422 : vector<1024xf32>
    %lt3A_526 = arith.cmpf olt, %squeeze3A_517, %select_n3A_525 : vector<1024xf32>
    %select_n3A_527 = arith.select %lt3A_526, %squeeze3A_517, %select_n3A_525 : vector<1024xi1>, vector<1024xf32>
    %select_n3A_528 = arith.select %lt3A_526, %add3A_521, %select_n3A_423 : vector<1024xi1>, vector<1024xi32>
    %get3A_529 = arith.constant 0 : index
    %get3A_530 = arith.constant 5120 : index
    %get3A_531 = arith.constant 0 : index
    %get3A_532 = vector.load %arg3[%get3A_529, %get3A_530, %get3A_531] : memref<1x8192x32xf32, #tpu.memory_space<vmem>>, vector<1x1024x32xf32>
    %get3A_533 = vector.shape_cast %get3A_532 : vector<1x1024x32xf32> to vector<1024x32xf32>
    %convert_element_type3A_534 = arith.truncf %get3A_533 : vector<1024x32xf32> to vector<1024x32xbf16>
    %mul3A_535 = arith.constant -2.000000e+00 : bf16
    %mul3A_536 = vector.broadcast %mul3A_535 : bf16 to vector<1024x32xbf16>
    %mul3A_537 = arith.mulf %convert_element_type3A_534, %mul3A_536 : vector<1024x32xbf16>
    %dot_general3A_538 = arith.constant dense<0.000000e+00> : vector<1024x1024xf32>
    %dot_general3A_539 = tpu.matmul %mul3A_537, %convert_element_type3A, %dot_general3A_538 {dimension_numbers = #tpu.dot_dimension_numbers<[1], [1], [0], [0], [0, 0, 1, 0], [], []>, transpose_lhs_hint = false} : vector<1024x32xbf16>, vector<1024x32xbf16>, vector<1024x1024xf32> -> vector<1024x1024xf32>
    %get3A_540 = arith.constant 0 : index
    %get3A_541 = arith.constant 0 : index
    %get3A_542 = arith.constant 5120 : index
    %get3A_543 = vector.load %arg5[%get3A_540, %get3A_541, %get3A_542] : memref<1x1x8192xf32, #tpu.memory_space<vmem>>, vector<1x1x1024xf32>
    %get3A_544 = vector.shape_cast %get3A_543 : vector<1x1x1024xf32> to vector<1024xf32>
    %broadcast_in_dim3A_545 = vector.shape_cast %get3A_544 : vector<1024xf32> to vector<1024x1xf32>
    %add3A_546 = vector.broadcast %broadcast_in_dim3A : vector<1x1024xf32> to vector<1024x1024xf32>
    %add3A_547 = arith.addf %add3A_546, %dot_general3A_539 : vector<1024x1024xf32>
    %add3A_548 = vector.broadcast %broadcast_in_dim3A_545 : vector<1024x1xf32> to vector<1024x1024xf32>
    %add3A_549 = arith.addf %add3A_547, %add3A_548 : vector<1024x1024xf32>
    %slice3A_550 = vector.extract_strided_slice %add3A_549 {offsets = [0, 0], sizes = [512, 1024], strides = [1, 1]} : vector<1024x1024xf32> to vector<512x1024xf32>
    %slice3A_551 = vector.extract_strided_slice %add3A_549 {offsets = [512, 0], sizes = [512, 1024], strides = [1, 1]} : vector<1024x1024xf32> to vector<512x1024xf32>
    %lt3A_552 = arith.cmpf olt, %slice3A_551, %slice3A_550 : vector<512x1024xf32>
    %select_n3A_553 = arith.select %lt3A_552, %slice3A_551, %slice3A_550 : vector<512x1024xi1>, vector<512x1024xf32>
    %iota3A_554 = tpu.iota {dimensions = array<i32: 0>} : vector<512x1024xi32>
    %add3A_555 = arith.constant 512 : i32
    %add3A_556 = vector.broadcast %add3A_555 : i32 to vector<512x1024xi32>
    %add3A_557 = arith.addi %iota3A_554, %add3A_556 : vector<512x1024xi32>
    %select_n3A_558 = arith.select %lt3A_552, %add3A_557, %iota3A_554 : vector<512x1024xi1>, vector<512x1024xi32>
    %slice3A_559 = vector.extract_strided_slice %select_n3A_553 {offsets = [0, 0], sizes = [256, 1024], strides = [1, 1]} : vector<512x1024xf32> to vector<256x1024xf32>
    %slice3A_560 = vector.extract_strided_slice %select_n3A_553 {offsets = [256, 0], sizes = [256, 1024], strides = [1, 1]} : vector<512x1024xf32> to vector<256x1024xf32>
    %lt3A_561 = arith.cmpf olt, %slice3A_560, %slice3A_559 : vector<256x1024xf32>
    %select_n3A_562 = arith.select %lt3A_561, %slice3A_560, %slice3A_559 : vector<256x1024xi1>, vector<256x1024xf32>
    %slice3A_563 = vector.extract_strided_slice %select_n3A_558 {offsets = [256, 0], sizes = [256, 1024], strides = [1, 1]} : vector<512x1024xi32> to vector<256x1024xi32>
    %slice3A_564 = vector.extract_strided_slice %select_n3A_558 {offsets = [0, 0], sizes = [256, 1024], strides = [1, 1]} : vector<512x1024xi32> to vector<256x1024xi32>
    %select_n3A_565 = arith.select %lt3A_561, %slice3A_563, %slice3A_564 : vector<256x1024xi1>, vector<256x1024xi32>
    %slice3A_566 = vector.extract_strided_slice %select_n3A_562 {offsets = [0, 0], sizes = [128, 1024], strides = [1, 1]} : vector<256x1024xf32> to vector<128x1024xf32>
    %slice3A_567 = vector.extract_strided_slice %select_n3A_562 {offsets = [128, 0], sizes = [128, 1024], strides = [1, 1]} : vector<256x1024xf32> to vector<128x1024xf32>
    %lt3A_568 = arith.cmpf olt, %slice3A_567, %slice3A_566 : vector<128x1024xf32>
    %select_n3A_569 = arith.select %lt3A_568, %slice3A_567, %slice3A_566 : vector<128x1024xi1>, vector<128x1024xf32>
    %slice3A_570 = vector.extract_strided_slice %select_n3A_565 {offsets = [128, 0], sizes = [128, 1024], strides = [1, 1]} : vector<256x1024xi32> to vector<128x1024xi32>
    %slice3A_571 = vector.extract_strided_slice %select_n3A_565 {offsets = [0, 0], sizes = [128, 1024], strides = [1, 1]} : vector<256x1024xi32> to vector<128x1024xi32>
    %select_n3A_572 = arith.select %lt3A_568, %slice3A_570, %slice3A_571 : vector<128x1024xi1>, vector<128x1024xi32>
    %slice3A_573 = vector.extract_strided_slice %select_n3A_569 {offsets = [0, 0], sizes = [64, 1024], strides = [1, 1]} : vector<128x1024xf32> to vector<64x1024xf32>
    %slice3A_574 = vector.extract_strided_slice %select_n3A_569 {offsets = [64, 0], sizes = [64, 1024], strides = [1, 1]} : vector<128x1024xf32> to vector<64x1024xf32>
    %lt3A_575 = arith.cmpf olt, %slice3A_574, %slice3A_573 : vector<64x1024xf32>
    %select_n3A_576 = arith.select %lt3A_575, %slice3A_574, %slice3A_573 : vector<64x1024xi1>, vector<64x1024xf32>
    %slice3A_577 = vector.extract_strided_slice %select_n3A_572 {offsets = [64, 0], sizes = [64, 1024], strides = [1, 1]} : vector<128x1024xi32> to vector<64x1024xi32>
    %slice3A_578 = vector.extract_strided_slice %select_n3A_572 {offsets = [0, 0], sizes = [64, 1024], strides = [1, 1]} : vector<128x1024xi32> to vector<64x1024xi32>
    %select_n3A_579 = arith.select %lt3A_575, %slice3A_577, %slice3A_578 : vector<64x1024xi1>, vector<64x1024xi32>
    %slice3A_580 = vector.extract_strided_slice %select_n3A_576 {offsets = [0, 0], sizes = [32, 1024], strides = [1, 1]} : vector<64x1024xf32> to vector<32x1024xf32>
    %slice3A_581 = vector.extract_strided_slice %select_n3A_576 {offsets = [32, 0], sizes = [32, 1024], strides = [1, 1]} : vector<64x1024xf32> to vector<32x1024xf32>
    %lt3A_582 = arith.cmpf olt, %slice3A_581, %slice3A_580 : vector<32x1024xf32>
    %select_n3A_583 = arith.select %lt3A_582, %slice3A_581, %slice3A_580 : vector<32x1024xi1>, vector<32x1024xf32>
    %slice3A_584 = vector.extract_strided_slice %select_n3A_579 {offsets = [32, 0], sizes = [32, 1024], strides = [1, 1]} : vector<64x1024xi32> to vector<32x1024xi32>
    %slice3A_585 = vector.extract_strided_slice %select_n3A_579 {offsets = [0, 0], sizes = [32, 1024], strides = [1, 1]} : vector<64x1024xi32> to vector<32x1024xi32>
    %select_n3A_586 = arith.select %lt3A_582, %slice3A_584, %slice3A_585 : vector<32x1024xi1>, vector<32x1024xi32>
    %slice3A_587 = vector.extract_strided_slice %select_n3A_583 {offsets = [0, 0], sizes = [16, 1024], strides = [1, 1]} : vector<32x1024xf32> to vector<16x1024xf32>
    %slice3A_588 = vector.extract_strided_slice %select_n3A_583 {offsets = [16, 0], sizes = [16, 1024], strides = [1, 1]} : vector<32x1024xf32> to vector<16x1024xf32>
    %lt3A_589 = arith.cmpf olt, %slice3A_588, %slice3A_587 : vector<16x1024xf32>
    %select_n3A_590 = arith.select %lt3A_589, %slice3A_588, %slice3A_587 : vector<16x1024xi1>, vector<16x1024xf32>
    %slice3A_591 = vector.extract_strided_slice %select_n3A_586 {offsets = [16, 0], sizes = [16, 1024], strides = [1, 1]} : vector<32x1024xi32> to vector<16x1024xi32>
    %slice3A_592 = vector.extract_strided_slice %select_n3A_586 {offsets = [0, 0], sizes = [16, 1024], strides = [1, 1]} : vector<32x1024xi32> to vector<16x1024xi32>
    %select_n3A_593 = arith.select %lt3A_589, %slice3A_591, %slice3A_592 : vector<16x1024xi1>, vector<16x1024xi32>
    %slice3A_594 = vector.extract_strided_slice %select_n3A_590 {offsets = [0, 0], sizes = [8, 1024], strides = [1, 1]} : vector<16x1024xf32> to vector<8x1024xf32>
    %slice3A_595 = vector.extract_strided_slice %select_n3A_590 {offsets = [8, 0], sizes = [8, 1024], strides = [1, 1]} : vector<16x1024xf32> to vector<8x1024xf32>
    %lt3A_596 = arith.cmpf olt, %slice3A_595, %slice3A_594 : vector<8x1024xf32>
    %select_n3A_597 = arith.select %lt3A_596, %slice3A_595, %slice3A_594 : vector<8x1024xi1>, vector<8x1024xf32>
    %slice3A_598 = vector.extract_strided_slice %select_n3A_593 {offsets = [8, 0], sizes = [8, 1024], strides = [1, 1]} : vector<16x1024xi32> to vector<8x1024xi32>
    %slice3A_599 = vector.extract_strided_slice %select_n3A_593 {offsets = [0, 0], sizes = [8, 1024], strides = [1, 1]} : vector<16x1024xi32> to vector<8x1024xi32>
    %select_n3A_600 = arith.select %lt3A_596, %slice3A_598, %slice3A_599 : vector<8x1024xi1>, vector<8x1024xi32>
    %slice3A_601 = vector.extract_strided_slice %select_n3A_597 {offsets = [0, 0], sizes = [4, 1024], strides = [1, 1]} : vector<8x1024xf32> to vector<4x1024xf32>
    %slice3A_602 = vector.extract_strided_slice %select_n3A_597 {offsets = [4, 0], sizes = [4, 1024], strides = [1, 1]} : vector<8x1024xf32> to vector<4x1024xf32>
    %lt3A_603 = arith.cmpf olt, %slice3A_602, %slice3A_601 : vector<4x1024xf32>
    %select_n3A_604 = arith.select %lt3A_603, %slice3A_602, %slice3A_601 : vector<4x1024xi1>, vector<4x1024xf32>
    %slice3A_605 = vector.extract_strided_slice %select_n3A_600 {offsets = [4, 0], sizes = [4, 1024], strides = [1, 1]} : vector<8x1024xi32> to vector<4x1024xi32>
    %slice3A_606 = vector.extract_strided_slice %select_n3A_600 {offsets = [0, 0], sizes = [4, 1024], strides = [1, 1]} : vector<8x1024xi32> to vector<4x1024xi32>
    %select_n3A_607 = arith.select %lt3A_603, %slice3A_605, %slice3A_606 : vector<4x1024xi1>, vector<4x1024xi32>
    %slice3A_608 = vector.extract_strided_slice %select_n3A_604 {offsets = [0, 0], sizes = [2, 1024], strides = [1, 1]} : vector<4x1024xf32> to vector<2x1024xf32>
    %slice3A_609 = vector.extract_strided_slice %select_n3A_604 {offsets = [2, 0], sizes = [2, 1024], strides = [1, 1]} : vector<4x1024xf32> to vector<2x1024xf32>
    %lt3A_610 = arith.cmpf olt, %slice3A_609, %slice3A_608 : vector<2x1024xf32>
    %select_n3A_611 = arith.select %lt3A_610, %slice3A_609, %slice3A_608 : vector<2x1024xi1>, vector<2x1024xf32>
    %slice3A_612 = vector.extract_strided_slice %select_n3A_607 {offsets = [2, 0], sizes = [2, 1024], strides = [1, 1]} : vector<4x1024xi32> to vector<2x1024xi32>
    %slice3A_613 = vector.extract_strided_slice %select_n3A_607 {offsets = [0, 0], sizes = [2, 1024], strides = [1, 1]} : vector<4x1024xi32> to vector<2x1024xi32>
    %select_n3A_614 = arith.select %lt3A_610, %slice3A_612, %slice3A_613 : vector<2x1024xi1>, vector<2x1024xi32>
    %slice3A_615 = vector.extract_strided_slice %select_n3A_611 {offsets = [0, 0], sizes = [1, 1024], strides = [1, 1]} : vector<2x1024xf32> to vector<1x1024xf32>
    %slice3A_616 = vector.extract_strided_slice %select_n3A_611 {offsets = [1, 0], sizes = [1, 1024], strides = [1, 1]} : vector<2x1024xf32> to vector<1x1024xf32>
    %lt3A_617 = arith.cmpf olt, %slice3A_616, %slice3A_615 : vector<1x1024xf32>
    %select_n3A_618 = arith.select %lt3A_617, %slice3A_616, %slice3A_615 : vector<1x1024xi1>, vector<1x1024xf32>
    %slice3A_619 = vector.extract_strided_slice %select_n3A_614 {offsets = [1, 0], sizes = [1, 1024], strides = [1, 1]} : vector<2x1024xi32> to vector<1x1024xi32>
    %slice3A_620 = vector.extract_strided_slice %select_n3A_614 {offsets = [0, 0], sizes = [1, 1024], strides = [1, 1]} : vector<2x1024xi32> to vector<1x1024xi32>
    %select_n3A_621 = arith.select %lt3A_617, %slice3A_619, %slice3A_620 : vector<1x1024xi1>, vector<1x1024xi32>
    %squeeze3A_622 = vector.shape_cast %select_n3A_618 : vector<1x1024xf32> to vector<1024xf32>
    %squeeze3A_623 = vector.shape_cast %select_n3A_621 : vector<1x1024xi32> to vector<1024xi32>
    %add3A_624 = arith.constant 5120 : i32
    %add3A_625 = vector.broadcast %add3A_624 : i32 to vector<1024xi32>
    %add3A_626 = arith.addi %squeeze3A_623, %add3A_625 : vector<1024xi32>
    %convert_element_type3A_627 = arith.truncf %select_n3A_527 : vector<1024xf32> to vector<1024xbf16>
    %convert_element_type3A_628 = arith.extf %convert_element_type3A_627 : vector<1024xbf16> to vector<1024xf32>
    %jit3A_629 = arith.constant false
    %select_n3A_630 = arith.select %jit3A_629, %convert_element_type3A_628, %select_n3A_527 : vector<1024xf32>
    %lt3A_631 = arith.cmpf olt, %squeeze3A_622, %select_n3A_630 : vector<1024xf32>
    %select_n3A_632 = arith.select %lt3A_631, %squeeze3A_622, %select_n3A_630 : vector<1024xi1>, vector<1024xf32>
    %select_n3A_633 = arith.select %lt3A_631, %add3A_626, %select_n3A_528 : vector<1024xi1>, vector<1024xi32>
    %get3A_634 = arith.constant 0 : index
    %get3A_635 = arith.constant 6144 : index
    %get3A_636 = arith.constant 0 : index
    %get3A_637 = vector.load %arg3[%get3A_634, %get3A_635, %get3A_636] : memref<1x8192x32xf32, #tpu.memory_space<vmem>>, vector<1x1024x32xf32>
    %get3A_638 = vector.shape_cast %get3A_637 : vector<1x1024x32xf32> to vector<1024x32xf32>
    %convert_element_type3A_639 = arith.truncf %get3A_638 : vector<1024x32xf32> to vector<1024x32xbf16>
    %mul3A_640 = arith.constant -2.000000e+00 : bf16
    %mul3A_641 = vector.broadcast %mul3A_640 : bf16 to vector<1024x32xbf16>
    %mul3A_642 = arith.mulf %convert_element_type3A_639, %mul3A_641 : vector<1024x32xbf16>
    %dot_general3A_643 = arith.constant dense<0.000000e+00> : vector<1024x1024xf32>
    %dot_general3A_644 = tpu.matmul %mul3A_642, %convert_element_type3A, %dot_general3A_643 {dimension_numbers = #tpu.dot_dimension_numbers<[1], [1], [0], [0], [0, 0, 1, 0], [], []>, transpose_lhs_hint = false} : vector<1024x32xbf16>, vector<1024x32xbf16>, vector<1024x1024xf32> -> vector<1024x1024xf32>
    %get3A_645 = arith.constant 0 : index
    %get3A_646 = arith.constant 0 : index
    %get3A_647 = arith.constant 6144 : index
    %get3A_648 = vector.load %arg5[%get3A_645, %get3A_646, %get3A_647] : memref<1x1x8192xf32, #tpu.memory_space<vmem>>, vector<1x1x1024xf32>
    %get3A_649 = vector.shape_cast %get3A_648 : vector<1x1x1024xf32> to vector<1024xf32>
    %broadcast_in_dim3A_650 = vector.shape_cast %get3A_649 : vector<1024xf32> to vector<1024x1xf32>
    %add3A_651 = vector.broadcast %broadcast_in_dim3A : vector<1x1024xf32> to vector<1024x1024xf32>
    %add3A_652 = arith.addf %add3A_651, %dot_general3A_644 : vector<1024x1024xf32>
    %add3A_653 = vector.broadcast %broadcast_in_dim3A_650 : vector<1024x1xf32> to vector<1024x1024xf32>
    %add3A_654 = arith.addf %add3A_652, %add3A_653 : vector<1024x1024xf32>
    %slice3A_655 = vector.extract_strided_slice %add3A_654 {offsets = [0, 0], sizes = [512, 1024], strides = [1, 1]} : vector<1024x1024xf32> to vector<512x1024xf32>
    %slice3A_656 = vector.extract_strided_slice %add3A_654 {offsets = [512, 0], sizes = [512, 1024], strides = [1, 1]} : vector<1024x1024xf32> to vector<512x1024xf32>
    %lt3A_657 = arith.cmpf olt, %slice3A_656, %slice3A_655 : vector<512x1024xf32>
    %select_n3A_658 = arith.select %lt3A_657, %slice3A_656, %slice3A_655 : vector<512x1024xi1>, vector<512x1024xf32>
    %iota3A_659 = tpu.iota {dimensions = array<i32: 0>} : vector<512x1024xi32>
    %add3A_660 = arith.constant 512 : i32
    %add3A_661 = vector.broadcast %add3A_660 : i32 to vector<512x1024xi32>
    %add3A_662 = arith.addi %iota3A_659, %add3A_661 : vector<512x1024xi32>
    %select_n3A_663 = arith.select %lt3A_657, %add3A_662, %iota3A_659 : vector<512x1024xi1>, vector<512x1024xi32>
    %slice3A_664 = vector.extract_strided_slice %select_n3A_658 {offsets = [0, 0], sizes = [256, 1024], strides = [1, 1]} : vector<512x1024xf32> to vector<256x1024xf32>
    %slice3A_665 = vector.extract_strided_slice %select_n3A_658 {offsets = [256, 0], sizes = [256, 1024], strides = [1, 1]} : vector<512x1024xf32> to vector<256x1024xf32>
    %lt3A_666 = arith.cmpf olt, %slice3A_665, %slice3A_664 : vector<256x1024xf32>
    %select_n3A_667 = arith.select %lt3A_666, %slice3A_665, %slice3A_664 : vector<256x1024xi1>, vector<256x1024xf32>
    %slice3A_668 = vector.extract_strided_slice %select_n3A_663 {offsets = [256, 0], sizes = [256, 1024], strides = [1, 1]} : vector<512x1024xi32> to vector<256x1024xi32>
    %slice3A_669 = vector.extract_strided_slice %select_n3A_663 {offsets = [0, 0], sizes = [256, 1024], strides = [1, 1]} : vector<512x1024xi32> to vector<256x1024xi32>
    %select_n3A_670 = arith.select %lt3A_666, %slice3A_668, %slice3A_669 : vector<256x1024xi1>, vector<256x1024xi32>
    %slice3A_671 = vector.extract_strided_slice %select_n3A_667 {offsets = [0, 0], sizes = [128, 1024], strides = [1, 1]} : vector<256x1024xf32> to vector<128x1024xf32>
    %slice3A_672 = vector.extract_strided_slice %select_n3A_667 {offsets = [128, 0], sizes = [128, 1024], strides = [1, 1]} : vector<256x1024xf32> to vector<128x1024xf32>
    %lt3A_673 = arith.cmpf olt, %slice3A_672, %slice3A_671 : vector<128x1024xf32>
    %select_n3A_674 = arith.select %lt3A_673, %slice3A_672, %slice3A_671 : vector<128x1024xi1>, vector<128x1024xf32>
    %slice3A_675 = vector.extract_strided_slice %select_n3A_670 {offsets = [128, 0], sizes = [128, 1024], strides = [1, 1]} : vector<256x1024xi32> to vector<128x1024xi32>
    %slice3A_676 = vector.extract_strided_slice %select_n3A_670 {offsets = [0, 0], sizes = [128, 1024], strides = [1, 1]} : vector<256x1024xi32> to vector<128x1024xi32>
    %select_n3A_677 = arith.select %lt3A_673, %slice3A_675, %slice3A_676 : vector<128x1024xi1>, vector<128x1024xi32>
    %slice3A_678 = vector.extract_strided_slice %select_n3A_674 {offsets = [0, 0], sizes = [64, 1024], strides = [1, 1]} : vector<128x1024xf32> to vector<64x1024xf32>
    %slice3A_679 = vector.extract_strided_slice %select_n3A_674 {offsets = [64, 0], sizes = [64, 1024], strides = [1, 1]} : vector<128x1024xf32> to vector<64x1024xf32>
    %lt3A_680 = arith.cmpf olt, %slice3A_679, %slice3A_678 : vector<64x1024xf32>
    %select_n3A_681 = arith.select %lt3A_680, %slice3A_679, %slice3A_678 : vector<64x1024xi1>, vector<64x1024xf32>
    %slice3A_682 = vector.extract_strided_slice %select_n3A_677 {offsets = [64, 0], sizes = [64, 1024], strides = [1, 1]} : vector<128x1024xi32> to vector<64x1024xi32>
    %slice3A_683 = vector.extract_strided_slice %select_n3A_677 {offsets = [0, 0], sizes = [64, 1024], strides = [1, 1]} : vector<128x1024xi32> to vector<64x1024xi32>
    %select_n3A_684 = arith.select %lt3A_680, %slice3A_682, %slice3A_683 : vector<64x1024xi1>, vector<64x1024xi32>
    %slice3A_685 = vector.extract_strided_slice %select_n3A_681 {offsets = [0, 0], sizes = [32, 1024], strides = [1, 1]} : vector<64x1024xf32> to vector<32x1024xf32>
    %slice3A_686 = vector.extract_strided_slice %select_n3A_681 {offsets = [32, 0], sizes = [32, 1024], strides = [1, 1]} : vector<64x1024xf32> to vector<32x1024xf32>
    %lt3A_687 = arith.cmpf olt, %slice3A_686, %slice3A_685 : vector<32x1024xf32>
    %select_n3A_688 = arith.select %lt3A_687, %slice3A_686, %slice3A_685 : vector<32x1024xi1>, vector<32x1024xf32>
    %slice3A_689 = vector.extract_strided_slice %select_n3A_684 {offsets = [32, 0], sizes = [32, 1024], strides = [1, 1]} : vector<64x1024xi32> to vector<32x1024xi32>
    %slice3A_690 = vector.extract_strided_slice %select_n3A_684 {offsets = [0, 0], sizes = [32, 1024], strides = [1, 1]} : vector<64x1024xi32> to vector<32x1024xi32>
    %select_n3A_691 = arith.select %lt3A_687, %slice3A_689, %slice3A_690 : vector<32x1024xi1>, vector<32x1024xi32>
    %slice3A_692 = vector.extract_strided_slice %select_n3A_688 {offsets = [0, 0], sizes = [16, 1024], strides = [1, 1]} : vector<32x1024xf32> to vector<16x1024xf32>
    %slice3A_693 = vector.extract_strided_slice %select_n3A_688 {offsets = [16, 0], sizes = [16, 1024], strides = [1, 1]} : vector<32x1024xf32> to vector<16x1024xf32>
    %lt3A_694 = arith.cmpf olt, %slice3A_693, %slice3A_692 : vector<16x1024xf32>
    %select_n3A_695 = arith.select %lt3A_694, %slice3A_693, %slice3A_692 : vector<16x1024xi1>, vector<16x1024xf32>
    %slice3A_696 = vector.extract_strided_slice %select_n3A_691 {offsets = [16, 0], sizes = [16, 1024], strides = [1, 1]} : vector<32x1024xi32> to vector<16x1024xi32>
    %slice3A_697 = vector.extract_strided_slice %select_n3A_691 {offsets = [0, 0], sizes = [16, 1024], strides = [1, 1]} : vector<32x1024xi32> to vector<16x1024xi32>
    %select_n3A_698 = arith.select %lt3A_694, %slice3A_696, %slice3A_697 : vector<16x1024xi1>, vector<16x1024xi32>
    %slice3A_699 = vector.extract_strided_slice %select_n3A_695 {offsets = [0, 0], sizes = [8, 1024], strides = [1, 1]} : vector<16x1024xf32> to vector<8x1024xf32>
    %slice3A_700 = vector.extract_strided_slice %select_n3A_695 {offsets = [8, 0], sizes = [8, 1024], strides = [1, 1]} : vector<16x1024xf32> to vector<8x1024xf32>
    %lt3A_701 = arith.cmpf olt, %slice3A_700, %slice3A_699 : vector<8x1024xf32>
    %select_n3A_702 = arith.select %lt3A_701, %slice3A_700, %slice3A_699 : vector<8x1024xi1>, vector<8x1024xf32>
    %slice3A_703 = vector.extract_strided_slice %select_n3A_698 {offsets = [8, 0], sizes = [8, 1024], strides = [1, 1]} : vector<16x1024xi32> to vector<8x1024xi32>
    %slice3A_704 = vector.extract_strided_slice %select_n3A_698 {offsets = [0, 0], sizes = [8, 1024], strides = [1, 1]} : vector<16x1024xi32> to vector<8x1024xi32>
    %select_n3A_705 = arith.select %lt3A_701, %slice3A_703, %slice3A_704 : vector<8x1024xi1>, vector<8x1024xi32>
    %slice3A_706 = vector.extract_strided_slice %select_n3A_702 {offsets = [0, 0], sizes = [4, 1024], strides = [1, 1]} : vector<8x1024xf32> to vector<4x1024xf32>
    %slice3A_707 = vector.extract_strided_slice %select_n3A_702 {offsets = [4, 0], sizes = [4, 1024], strides = [1, 1]} : vector<8x1024xf32> to vector<4x1024xf32>
    %lt3A_708 = arith.cmpf olt, %slice3A_707, %slice3A_706 : vector<4x1024xf32>
    %select_n3A_709 = arith.select %lt3A_708, %slice3A_707, %slice3A_706 : vector<4x1024xi1>, vector<4x1024xf32>
    %slice3A_710 = vector.extract_strided_slice %select_n3A_705 {offsets = [4, 0], sizes = [4, 1024], strides = [1, 1]} : vector<8x1024xi32> to vector<4x1024xi32>
    %slice3A_711 = vector.extract_strided_slice %select_n3A_705 {offsets = [0, 0], sizes = [4, 1024], strides = [1, 1]} : vector<8x1024xi32> to vector<4x1024xi32>
    %select_n3A_712 = arith.select %lt3A_708, %slice3A_710, %slice3A_711 : vector<4x1024xi1>, vector<4x1024xi32>
    %slice3A_713 = vector.extract_strided_slice %select_n3A_709 {offsets = [0, 0], sizes = [2, 1024], strides = [1, 1]} : vector<4x1024xf32> to vector<2x1024xf32>
    %slice3A_714 = vector.extract_strided_slice %select_n3A_709 {offsets = [2, 0], sizes = [2, 1024], strides = [1, 1]} : vector<4x1024xf32> to vector<2x1024xf32>
    %lt3A_715 = arith.cmpf olt, %slice3A_714, %slice3A_713 : vector<2x1024xf32>
    %select_n3A_716 = arith.select %lt3A_715, %slice3A_714, %slice3A_713 : vector<2x1024xi1>, vector<2x1024xf32>
    %slice3A_717 = vector.extract_strided_slice %select_n3A_712 {offsets = [2, 0], sizes = [2, 1024], strides = [1, 1]} : vector<4x1024xi32> to vector<2x1024xi32>
    %slice3A_718 = vector.extract_strided_slice %select_n3A_712 {offsets = [0, 0], sizes = [2, 1024], strides = [1, 1]} : vector<4x1024xi32> to vector<2x1024xi32>
    %select_n3A_719 = arith.select %lt3A_715, %slice3A_717, %slice3A_718 : vector<2x1024xi1>, vector<2x1024xi32>
    %slice3A_720 = vector.extract_strided_slice %select_n3A_716 {offsets = [0, 0], sizes = [1, 1024], strides = [1, 1]} : vector<2x1024xf32> to vector<1x1024xf32>
    %slice3A_721 = vector.extract_strided_slice %select_n3A_716 {offsets = [1, 0], sizes = [1, 1024], strides = [1, 1]} : vector<2x1024xf32> to vector<1x1024xf32>
    %lt3A_722 = arith.cmpf olt, %slice3A_721, %slice3A_720 : vector<1x1024xf32>
    %select_n3A_723 = arith.select %lt3A_722, %slice3A_721, %slice3A_720 : vector<1x1024xi1>, vector<1x1024xf32>
    %slice3A_724 = vector.extract_strided_slice %select_n3A_719 {offsets = [1, 0], sizes = [1, 1024], strides = [1, 1]} : vector<2x1024xi32> to vector<1x1024xi32>
    %slice3A_725 = vector.extract_strided_slice %select_n3A_719 {offsets = [0, 0], sizes = [1, 1024], strides = [1, 1]} : vector<2x1024xi32> to vector<1x1024xi32>
    %select_n3A_726 = arith.select %lt3A_722, %slice3A_724, %slice3A_725 : vector<1x1024xi1>, vector<1x1024xi32>
    %squeeze3A_727 = vector.shape_cast %select_n3A_723 : vector<1x1024xf32> to vector<1024xf32>
    %squeeze3A_728 = vector.shape_cast %select_n3A_726 : vector<1x1024xi32> to vector<1024xi32>
    %add3A_729 = arith.constant 6144 : i32
    %add3A_730 = vector.broadcast %add3A_729 : i32 to vector<1024xi32>
    %add3A_731 = arith.addi %squeeze3A_728, %add3A_730 : vector<1024xi32>
    %convert_element_type3A_732 = arith.truncf %select_n3A_632 : vector<1024xf32> to vector<1024xbf16>
    %convert_element_type3A_733 = arith.extf %convert_element_type3A_732 : vector<1024xbf16> to vector<1024xf32>
    %jit3A_734 = arith.constant false
    %select_n3A_735 = arith.select %jit3A_734, %convert_element_type3A_733, %select_n3A_632 : vector<1024xf32>
    %lt3A_736 = arith.cmpf olt, %squeeze3A_727, %select_n3A_735 : vector<1024xf32>
    %select_n3A_737 = arith.select %lt3A_736, %squeeze3A_727, %select_n3A_735 : vector<1024xi1>, vector<1024xf32>
    %select_n3A_738 = arith.select %lt3A_736, %add3A_731, %select_n3A_633 : vector<1024xi1>, vector<1024xi32>
    %get3A_739 = arith.constant 0 : index
    %get3A_740 = arith.constant 7168 : index
    %get3A_741 = arith.constant 0 : index
    %get3A_742 = vector.load %arg3[%get3A_739, %get3A_740, %get3A_741] : memref<1x8192x32xf32, #tpu.memory_space<vmem>>, vector<1x1024x32xf32>
    %get3A_743 = vector.shape_cast %get3A_742 : vector<1x1024x32xf32> to vector<1024x32xf32>
    %convert_element_type3A_744 = arith.truncf %get3A_743 : vector<1024x32xf32> to vector<1024x32xbf16>
    %mul3A_745 = arith.constant -2.000000e+00 : bf16
    %mul3A_746 = vector.broadcast %mul3A_745 : bf16 to vector<1024x32xbf16>
    %mul3A_747 = arith.mulf %convert_element_type3A_744, %mul3A_746 : vector<1024x32xbf16>
    %dot_general3A_748 = arith.constant dense<0.000000e+00> : vector<1024x1024xf32>
    %dot_general3A_749 = tpu.matmul %mul3A_747, %convert_element_type3A, %dot_general3A_748 {dimension_numbers = #tpu.dot_dimension_numbers<[1], [1], [0], [0], [0, 0, 1, 0], [], []>, transpose_lhs_hint = false} : vector<1024x32xbf16>, vector<1024x32xbf16>, vector<1024x1024xf32> -> vector<1024x1024xf32>
    %get3A_750 = arith.constant 0 : index
    %get3A_751 = arith.constant 0 : index
    %get3A_752 = arith.constant 7168 : index
    %get3A_753 = vector.load %arg5[%get3A_750, %get3A_751, %get3A_752] : memref<1x1x8192xf32, #tpu.memory_space<vmem>>, vector<1x1x1024xf32>
    %get3A_754 = vector.shape_cast %get3A_753 : vector<1x1x1024xf32> to vector<1024xf32>
    %broadcast_in_dim3A_755 = vector.shape_cast %get3A_754 : vector<1024xf32> to vector<1024x1xf32>
    %add3A_756 = vector.broadcast %broadcast_in_dim3A : vector<1x1024xf32> to vector<1024x1024xf32>
    %add3A_757 = arith.addf %add3A_756, %dot_general3A_749 : vector<1024x1024xf32>
    %add3A_758 = vector.broadcast %broadcast_in_dim3A_755 : vector<1024x1xf32> to vector<1024x1024xf32>
    %add3A_759 = arith.addf %add3A_757, %add3A_758 : vector<1024x1024xf32>
    %slice3A_760 = vector.extract_strided_slice %add3A_759 {offsets = [0, 0], sizes = [512, 1024], strides = [1, 1]} : vector<1024x1024xf32> to vector<512x1024xf32>
    %slice3A_761 = vector.extract_strided_slice %add3A_759 {offsets = [512, 0], sizes = [512, 1024], strides = [1, 1]} : vector<1024x1024xf32> to vector<512x1024xf32>
    %lt3A_762 = arith.cmpf olt, %slice3A_761, %slice3A_760 : vector<512x1024xf32>
    %select_n3A_763 = arith.select %lt3A_762, %slice3A_761, %slice3A_760 : vector<512x1024xi1>, vector<512x1024xf32>
    %iota3A_764 = tpu.iota {dimensions = array<i32: 0>} : vector<512x1024xi32>
    %add3A_765 = arith.constant 512 : i32
    %add3A_766 = vector.broadcast %add3A_765 : i32 to vector<512x1024xi32>
    %add3A_767 = arith.addi %iota3A_764, %add3A_766 : vector<512x1024xi32>
    %select_n3A_768 = arith.select %lt3A_762, %add3A_767, %iota3A_764 : vector<512x1024xi1>, vector<512x1024xi32>
    %slice3A_769 = vector.extract_strided_slice %select_n3A_763 {offsets = [0, 0], sizes = [256, 1024], strides = [1, 1]} : vector<512x1024xf32> to vector<256x1024xf32>
    %slice3A_770 = vector.extract_strided_slice %select_n3A_763 {offsets = [256, 0], sizes = [256, 1024], strides = [1, 1]} : vector<512x1024xf32> to vector<256x1024xf32>
    %lt3A_771 = arith.cmpf olt, %slice3A_770, %slice3A_769 : vector<256x1024xf32>
    %select_n3A_772 = arith.select %lt3A_771, %slice3A_770, %slice3A_769 : vector<256x1024xi1>, vector<256x1024xf32>
    %slice3A_773 = vector.extract_strided_slice %select_n3A_768 {offsets = [256, 0], sizes = [256, 1024], strides = [1, 1]} : vector<512x1024xi32> to vector<256x1024xi32>
    %slice3A_774 = vector.extract_strided_slice %select_n3A_768 {offsets = [0, 0], sizes = [256, 1024], strides = [1, 1]} : vector<512x1024xi32> to vector<256x1024xi32>
    %select_n3A_775 = arith.select %lt3A_771, %slice3A_773, %slice3A_774 : vector<256x1024xi1>, vector<256x1024xi32>
    %slice3A_776 = vector.extract_strided_slice %select_n3A_772 {offsets = [0, 0], sizes = [128, 1024], strides = [1, 1]} : vector<256x1024xf32> to vector<128x1024xf32>
    %slice3A_777 = vector.extract_strided_slice %select_n3A_772 {offsets = [128, 0], sizes = [128, 1024], strides = [1, 1]} : vector<256x1024xf32> to vector<128x1024xf32>
    %lt3A_778 = arith.cmpf olt, %slice3A_777, %slice3A_776 : vector<128x1024xf32>
    %select_n3A_779 = arith.select %lt3A_778, %slice3A_777, %slice3A_776 : vector<128x1024xi1>, vector<128x1024xf32>
    %slice3A_780 = vector.extract_strided_slice %select_n3A_775 {offsets = [128, 0], sizes = [128, 1024], strides = [1, 1]} : vector<256x1024xi32> to vector<128x1024xi32>
    %slice3A_781 = vector.extract_strided_slice %select_n3A_775 {offsets = [0, 0], sizes = [128, 1024], strides = [1, 1]} : vector<256x1024xi32> to vector<128x1024xi32>
    %select_n3A_782 = arith.select %lt3A_778, %slice3A_780, %slice3A_781 : vector<128x1024xi1>, vector<128x1024xi32>
    %slice3A_783 = vector.extract_strided_slice %select_n3A_779 {offsets = [0, 0], sizes = [64, 1024], strides = [1, 1]} : vector<128x1024xf32> to vector<64x1024xf32>
    %slice3A_784 = vector.extract_strided_slice %select_n3A_779 {offsets = [64, 0], sizes = [64, 1024], strides = [1, 1]} : vector<128x1024xf32> to vector<64x1024xf32>
    %lt3A_785 = arith.cmpf olt, %slice3A_784, %slice3A_783 : vector<64x1024xf32>
    %select_n3A_786 = arith.select %lt3A_785, %slice3A_784, %slice3A_783 : vector<64x1024xi1>, vector<64x1024xf32>
    %slice3A_787 = vector.extract_strided_slice %select_n3A_782 {offsets = [64, 0], sizes = [64, 1024], strides = [1, 1]} : vector<128x1024xi32> to vector<64x1024xi32>
    %slice3A_788 = vector.extract_strided_slice %select_n3A_782 {offsets = [0, 0], sizes = [64, 1024], strides = [1, 1]} : vector<128x1024xi32> to vector<64x1024xi32>
    %select_n3A_789 = arith.select %lt3A_785, %slice3A_787, %slice3A_788 : vector<64x1024xi1>, vector<64x1024xi32>
    %slice3A_790 = vector.extract_strided_slice %select_n3A_786 {offsets = [0, 0], sizes = [32, 1024], strides = [1, 1]} : vector<64x1024xf32> to vector<32x1024xf32>
    %slice3A_791 = vector.extract_strided_slice %select_n3A_786 {offsets = [32, 0], sizes = [32, 1024], strides = [1, 1]} : vector<64x1024xf32> to vector<32x1024xf32>
    %lt3A_792 = arith.cmpf olt, %slice3A_791, %slice3A_790 : vector<32x1024xf32>
    %select_n3A_793 = arith.select %lt3A_792, %slice3A_791, %slice3A_790 : vector<32x1024xi1>, vector<32x1024xf32>
    %slice3A_794 = vector.extract_strided_slice %select_n3A_789 {offsets = [32, 0], sizes = [32, 1024], strides = [1, 1]} : vector<64x1024xi32> to vector<32x1024xi32>
    %slice3A_795 = vector.extract_strided_slice %select_n3A_789 {offsets = [0, 0], sizes = [32, 1024], strides = [1, 1]} : vector<64x1024xi32> to vector<32x1024xi32>
    %select_n3A_796 = arith.select %lt3A_792, %slice3A_794, %slice3A_795 : vector<32x1024xi1>, vector<32x1024xi32>
    %slice3A_797 = vector.extract_strided_slice %select_n3A_793 {offsets = [0, 0], sizes = [16, 1024], strides = [1, 1]} : vector<32x1024xf32> to vector<16x1024xf32>
    %slice3A_798 = vector.extract_strided_slice %select_n3A_793 {offsets = [16, 0], sizes = [16, 1024], strides = [1, 1]} : vector<32x1024xf32> to vector<16x1024xf32>
    %lt3A_799 = arith.cmpf olt, %slice3A_798, %slice3A_797 : vector<16x1024xf32>
    %select_n3A_800 = arith.select %lt3A_799, %slice3A_798, %slice3A_797 : vector<16x1024xi1>, vector<16x1024xf32>
    %slice3A_801 = vector.extract_strided_slice %select_n3A_796 {offsets = [16, 0], sizes = [16, 1024], strides = [1, 1]} : vector<32x1024xi32> to vector<16x1024xi32>
    %slice3A_802 = vector.extract_strided_slice %select_n3A_796 {offsets = [0, 0], sizes = [16, 1024], strides = [1, 1]} : vector<32x1024xi32> to vector<16x1024xi32>
    %select_n3A_803 = arith.select %lt3A_799, %slice3A_801, %slice3A_802 : vector<16x1024xi1>, vector<16x1024xi32>
    %slice3A_804 = vector.extract_strided_slice %select_n3A_800 {offsets = [0, 0], sizes = [8, 1024], strides = [1, 1]} : vector<16x1024xf32> to vector<8x1024xf32>
    %slice3A_805 = vector.extract_strided_slice %select_n3A_800 {offsets = [8, 0], sizes = [8, 1024], strides = [1, 1]} : vector<16x1024xf32> to vector<8x1024xf32>
    %lt3A_806 = arith.cmpf olt, %slice3A_805, %slice3A_804 : vector<8x1024xf32>
    %select_n3A_807 = arith.select %lt3A_806, %slice3A_805, %slice3A_804 : vector<8x1024xi1>, vector<8x1024xf32>
    %slice3A_808 = vector.extract_strided_slice %select_n3A_803 {offsets = [8, 0], sizes = [8, 1024], strides = [1, 1]} : vector<16x1024xi32> to vector<8x1024xi32>
    %slice3A_809 = vector.extract_strided_slice %select_n3A_803 {offsets = [0, 0], sizes = [8, 1024], strides = [1, 1]} : vector<16x1024xi32> to vector<8x1024xi32>
    %select_n3A_810 = arith.select %lt3A_806, %slice3A_808, %slice3A_809 : vector<8x1024xi1>, vector<8x1024xi32>
    %slice3A_811 = vector.extract_strided_slice %select_n3A_807 {offsets = [0, 0], sizes = [4, 1024], strides = [1, 1]} : vector<8x1024xf32> to vector<4x1024xf32>
    %slice3A_812 = vector.extract_strided_slice %select_n3A_807 {offsets = [4, 0], sizes = [4, 1024], strides = [1, 1]} : vector<8x1024xf32> to vector<4x1024xf32>
    %lt3A_813 = arith.cmpf olt, %slice3A_812, %slice3A_811 : vector<4x1024xf32>
    %select_n3A_814 = arith.select %lt3A_813, %slice3A_812, %slice3A_811 : vector<4x1024xi1>, vector<4x1024xf32>
    %slice3A_815 = vector.extract_strided_slice %select_n3A_810 {offsets = [4, 0], sizes = [4, 1024], strides = [1, 1]} : vector<8x1024xi32> to vector<4x1024xi32>
    %slice3A_816 = vector.extract_strided_slice %select_n3A_810 {offsets = [0, 0], sizes = [4, 1024], strides = [1, 1]} : vector<8x1024xi32> to vector<4x1024xi32>
    %select_n3A_817 = arith.select %lt3A_813, %slice3A_815, %slice3A_816 : vector<4x1024xi1>, vector<4x1024xi32>
    %slice3A_818 = vector.extract_strided_slice %select_n3A_814 {offsets = [0, 0], sizes = [2, 1024], strides = [1, 1]} : vector<4x1024xf32> to vector<2x1024xf32>
    %slice3A_819 = vector.extract_strided_slice %select_n3A_814 {offsets = [2, 0], sizes = [2, 1024], strides = [1, 1]} : vector<4x1024xf32> to vector<2x1024xf32>
    %lt3A_820 = arith.cmpf olt, %slice3A_819, %slice3A_818 : vector<2x1024xf32>
    %select_n3A_821 = arith.select %lt3A_820, %slice3A_819, %slice3A_818 : vector<2x1024xi1>, vector<2x1024xf32>
    %slice3A_822 = vector.extract_strided_slice %select_n3A_817 {offsets = [2, 0], sizes = [2, 1024], strides = [1, 1]} : vector<4x1024xi32> to vector<2x1024xi32>
    %slice3A_823 = vector.extract_strided_slice %select_n3A_817 {offsets = [0, 0], sizes = [2, 1024], strides = [1, 1]} : vector<4x1024xi32> to vector<2x1024xi32>
    %select_n3A_824 = arith.select %lt3A_820, %slice3A_822, %slice3A_823 : vector<2x1024xi1>, vector<2x1024xi32>
    %slice3A_825 = vector.extract_strided_slice %select_n3A_821 {offsets = [0, 0], sizes = [1, 1024], strides = [1, 1]} : vector<2x1024xf32> to vector<1x1024xf32>
    %slice3A_826 = vector.extract_strided_slice %select_n3A_821 {offsets = [1, 0], sizes = [1, 1024], strides = [1, 1]} : vector<2x1024xf32> to vector<1x1024xf32>
    %lt3A_827 = arith.cmpf olt, %slice3A_826, %slice3A_825 : vector<1x1024xf32>
    %select_n3A_828 = arith.select %lt3A_827, %slice3A_826, %slice3A_825 : vector<1x1024xi1>, vector<1x1024xf32>
    %slice3A_829 = vector.extract_strided_slice %select_n3A_824 {offsets = [1, 0], sizes = [1, 1024], strides = [1, 1]} : vector<2x1024xi32> to vector<1x1024xi32>
    %slice3A_830 = vector.extract_strided_slice %select_n3A_824 {offsets = [0, 0], sizes = [1, 1024], strides = [1, 1]} : vector<2x1024xi32> to vector<1x1024xi32>
    %select_n3A_831 = arith.select %lt3A_827, %slice3A_829, %slice3A_830 : vector<1x1024xi1>, vector<1x1024xi32>
    %squeeze3A_832 = vector.shape_cast %select_n3A_828 : vector<1x1024xf32> to vector<1024xf32>
    %squeeze3A_833 = vector.shape_cast %select_n3A_831 : vector<1x1024xi32> to vector<1024xi32>
    %add3A_834 = arith.constant 7168 : i32
    %add3A_835 = vector.broadcast %add3A_834 : i32 to vector<1024xi32>
    %add3A_836 = arith.addi %squeeze3A_833, %add3A_835 : vector<1024xi32>
    %convert_element_type3A_837 = arith.truncf %select_n3A_737 : vector<1024xf32> to vector<1024xbf16>
    %convert_element_type3A_838 = arith.extf %convert_element_type3A_837 : vector<1024xbf16> to vector<1024xf32>
    %jit3A_839 = arith.constant false
    %select_n3A_840 = arith.select %jit3A_839, %convert_element_type3A_838, %select_n3A_737 : vector<1024xf32>
    %lt3A_841 = arith.cmpf olt, %squeeze3A_832, %select_n3A_840 : vector<1024xf32>
    %select_n3A_842 = arith.select %lt3A_841, %squeeze3A_832, %select_n3A_840 : vector<1024xi1>, vector<1024xf32>
    %select_n3A_843 = arith.select %lt3A_841, %add3A_836, %select_n3A_738 : vector<1024xi1>, vector<1024xi32>
    %swap3A = arith.constant 0 : index
    %swap3A_844 = arith.constant 0 : index
    %swap3A_845 = arith.constant 0 : index
    %swap3A_846 = vector.load %arg6[%swap3A, %swap3A_844, %swap3A_845] : memref<1x1x1024xi32, #tpu.memory_space<vmem>>, vector<1x1x1024xi32>
    %swap3A_847 = vector.shape_cast %swap3A_846 : vector<1x1x1024xi32> to vector<1024xi32>
    %swap3A_848 = vector.shape_cast %select_n3A_843 : vector<1024xi32> to vector<1x1x1024xi32>
    tpu.vector_store %arg6[%swap3A, %swap3A_844, %swap3A_845], %swap3A_848 {strides = array<i32>} : memref<1x1x1024xi32, #tpu.memory_space<vmem>>, vector<1x1x1024xi32>,
    %mul3A_849 = arith.constant 8192 : i32
    %mul3A_850 = arith.muli %arg0, %mul3A_849 : i32
    %add3A_851 = vector.broadcast %mul3A_850 : i32 to vector<1024xi32>
    %add3A_852 = arith.addi %select_n3A_843, %add3A_851 : vector<1024xi32>
    %swap3A_853 = arith.constant 0 : index
    %swap3A_854 = arith.constant 0 : index
    %swap3A_855 = arith.constant 0 : index
    %swap3A_856 = vector.load %arg7[%swap3A_853, %swap3A_854, %swap3A_855] : memref<1x1x1024xi32, #tpu.memory_space<vmem>>, vector<1x1x1024xi32>
    %swap3A_857 = vector.shape_cast %swap3A_856 : vector<1x1x1024xi32> to vector<1024xi32>
    %swap3A_858 = vector.shape_cast %add3A_852 : vector<1024xi32> to vector<1x1x1024xi32>
    tpu.vector_store %arg7[%swap3A_853, %swap3A_854, %swap3A_855], %swap3A_858 {strides = array<i32>} : memref<1x1x1024xi32, #tpu.memory_space<vmem>>, vector<1x1x1024xi32>,
    %eq3A = arith.constant 0 : i32
    %eq3A_859 = arith.cmpi eq, %arg0, %eq3A : i32
    %eq3A_860 = arith.constant 0 : i32
    %eq3A_861 = arith.cmpi eq, %arg1, %eq3A_860 : i32
    %and3A = arith.andi %eq3A_859, %eq3A_861 : i1
    %eq3A_862 = arith.constant 7 : i32
    %eq3A_863 = arith.cmpi eq, %arg0, %eq3A_862 : i32
    %eq3A_864 = arith.constant 7 : i32
    %eq3A_865 = arith.cmpi eq, %arg1, %eq3A_864 : i32
    %and3A_866 = arith.andi %eq3A_863, %eq3A_865 : i1
    %broadcast_in_dim3A_867 = arith.constant 0.000000e+00 : f32
    %broadcast_in_dim3A_868 = vector.broadcast %broadcast_in_dim3A_867 : f32 to vector<1x1xf32>
    %get3A_869 = arith.constant 0 : index
    %get3A_870 = arith.constant 0 : index
    %get3A_871 = vector.load %arg8[%get3A_869, %get3A_870] : memref<1x1xf32, #tpu.memory_space<vmem>>, vector<1x1xf32>
    %select_n3A_872 = arith.select %and3A, %broadcast_in_dim3A_868, %get3A_871 : vector<1x1xf32>
    %reduce_sum3A = vector.shape_cast %select_n3A_842 : vector<1024xf32> to vector<1x1024xf32>
    %reduce_sum3A_873 = arith.constant dense<0.000000e+00> : vector<1xf32>
    %reduce_sum3A_874 = vector.multi_reduction <add>, %reduce_sum3A, %reduce_sum3A_873 [1] : vector<1x1024xf32> to vector<1xf32>
    %reduce_sum3A_875 = vector.shape_cast %reduce_sum3A_874 : vector<1xf32> to vector<1x1xf32>
    %reduce_sum3A_876 = vector.extract %reduce_sum3A_875[0, 0] : f32 from vector<1x1xf32>
    %add3A_877 = vector.broadcast %reduce_sum3A_876 : f32 to vector<1x1xf32>
    %add3A_878 = arith.addf %select_n3A_872, %add3A_877 : vector<1x1xf32>
    %mul3A_879 = arith.constant 7.62939453E-6 : f32
    %mul3A_880 = vector.broadcast %mul3A_879 : f32 to vector<1x1xf32>
    %mul3A_881 = arith.mulf %add3A_878, %mul3A_880 : vector<1x1xf32>
    %select_n3A_882 = arith.select %and3A_866, %mul3A_881, %add3A_878 : vector<1x1xf32>
    %swap3A_883 = arith.constant 0 : index
    %swap3A_884 = arith.constant 0 : index
    %swap3A_885 = vector.load %arg8[%swap3A_883, %swap3A_884] : memref<1x1xf32, #tpu.memory_space<vmem>>, vector<1x1xf32>
    tpu.vector_store %arg8[%swap3A_883, %swap3A_884], %select_n3A_882 {strides = array<i32>} : memref<1x1xf32, #tpu.memory_space<vmem>>, vector<1x1xf32>,
    return
  }
  func.func @transform_0(%arg0: i32, %arg1: i32) -> (i32, i32, i32) {
    %c0_i32 = arith.constant 0 : i32
    %c0_i32_0 = arith.constant 0 : i32
    return %arg0, %arg1, %c0_i32 : i32, i32, i32
  }
  func.func @transform_1(%arg0: i32, %arg1: i32) -> (i32, i32, i32) {
    %c0_i32 = arith.constant 0 : i32
    %c0_i32_0 = arith.constant 0 : i32
    %c0_i32_1 = arith.constant 0 : i32
    return %arg0, %c0_i32, %c0_i32_0 : i32, i32, i32
  }
  func.func @transform_2(%arg0: i32, %arg1: i32) -> (i32, i32, i32) {
    %mul3A = arith.constant 8 : i32
    %mul3A_0 = arith.muli %arg0, %mul3A : i32
    %add3A = arith.addi %mul3A_0, %arg1 : i32
    %c0_i32 = arith.constant 0 : i32
    %c0_i32_1 = arith.constant 0 : i32
    %c0_i32_2 = arith.constant 0 : i32
    return %add3A, %c0_i32, %c0_i32_1 : i32, i32, i32
  }
  func.func @transform_3(%arg0: i32, %arg1: i32) -> (i32, i32, i32) {
    %c0_i32 = arith.constant 0 : i32
    %c0_i32_0 = arith.constant 0 : i32
    %c0_i32_1 = arith.constant 0 : i32
    return %arg0, %c0_i32, %c0_i32_0 : i32, i32, i32
  }
  func.func @transform_4(%arg0: i32, %arg1: i32) -> (i32, i32, i32) {
    %mul3A = arith.constant 8 : i32
    %mul3A_0 = arith.muli %arg0, %mul3A : i32
    %add3A = arith.addi %mul3A_0, %arg1 : i32
    %c0_i32 = arith.constant 0 : i32
    %c0_i32_1 = arith.constant 0 : i32
    %c0_i32_2 = arith.constant 0 : i32
    return %add3A, %c0_i32, %c0_i32_1 : i32, i32, i32
  }
  func.func @transform_5(%arg0: i32, %arg1: i32) -> (i32, i32, i32) {
    %mul3A = arith.constant 8 : i32
    %mul3A_0 = arith.muli %arg0, %mul3A : i32
    %add3A = arith.addi %mul3A_0, %arg1 : i32
    %c0_i32 = arith.constant 0 : i32
    %c0_i32_1 = arith.constant 0 : i32
    %c0_i32_2 = arith.constant 0 : i32
    return %add3A, %c0_i32, %c0_i32_1 : i32, i32, i32
  }
  func.func @transform_6(%arg0: i32, %arg1: i32) -> (i32, i32) {
    %c0_i32 = arith.constant 0 : i32
    %c0_i32_0 = arith.constant 0 : i32
    %c0_i32_1 = arith.constant 0 : i32
    return %c0_i32, %c0_i32_0 : i32, i32
  }
}

</mosaic_0001>

<sc_bundles>
// kernel: kernel.4.cloned.1.call-start
scs
__scs_entry_jumppad:
0x0: {  	(pc) =	sbr.rel $0x88, $3  }
0x1: {  	(tag) =	ssettag $0x0;
	lr =	simm.s32 $0x1  }
0x2: {  	[smem:$0x3F9F] =	sst lr;
	_ =	strace $0xD0000000  }
0x3: {  	_ = 	snop  }
0x4: {  	_ = 	snop  }
0x5: {  	_ = 	snop  }
0x6: {  	_ = 	snop  }
0x7: {  	_ = 	snop  }
__scs_overlays_trampoline_lowered:
0x8: {  	[smem:$0x3FAE] =	sst s0  }
0x9: {  	[smem:$0x3FAF] =	sst s1  }
0xa: {  	[smem:$0x3FB0] =	sst s2  }
0xb: {  	[smem:$0x3FB1] =	sst s3  }
0xc: {  	[smem:$0x3FB2] =	sst s4  }
0xd: {  	[smem:$0x3FB3] =	sst s5  }
0xe: {  	[smem:$0x3FB4] =	sst s6  }
0xf: {  	[smem:$0x3FB5] =	sst s7  }
0x10: {  	[smem:$0x3FB6] =	sst s8  }
0x11: {  	[smem:$0x3FB7] =	sst s9;
	s0 =	simm.s32 @!p0 $0x0  }
0x12: {  	s1 =	sld [smem:$0x3F9D];
	s0 =	simm.s32 @p0 $0x1  }
0x13: {  	[smem:$0x3FB8] =	sst s0;
	s0 =	simm.s32 @!p1 $0x0  }
0x14: {  	s2 =	sld [smem:$0x3F9C];
	s0 =	simm.s32 @p1 $0x1  }
0x15: {  	[smem:$0x3FB9] =	sst s0;
	s0 =	simm.s32 @!p2 $0x0  }
0x16: {  	s3 =	sld [smem:$0x3FDB];
	s0 =	simm.s32 @p2 $0x1  }
0x17: {  	s4 =	simm.s32 $0x1BF5;
	[smem:$0x3FBB] =	sst s0  }
0x18: {  	s0 =	sld [smem:$0x3F9E];
	_ =	swait.ge [sflag:s4], $0x0  }
0x19: {  	s7 =	sld [smem:$0x3F9F]  }
0x1a: {  	s8 =	sadd.s32 $0xFFFFE003, lr  }
0x1b: {  	s9 =	sadd.s32 $0xFFFFFEF7, lr;
	s5 =	simm.s32 $0xFFFFFFFF;
	p2 =	slt.u32 s8, $0xFFFFF086  }
0x1c: {  	p1 =	slt.u32 s9, $0xF7A;
	s5 =	simm.s32 @!p2 $0x0  }
0x1d: {  	s5 =	simm.s32 @p1 $0x1;
	p0 =	seq.s32 s7, s2  }
0x1e: {  	s7 =	smul.u32 @!p0 $0xF7A, s2;
	p2 =	seq.s32 @!p0 s5, $0x0  }
0x1f: {  	s9 =	smul.u32 $0xF7A, s1;
	s8 =	simm.s32 @!p0 $0x1BF5;
	p2 =	por !p2, p0  }
0x20: {  	[sflag:s8] =	ssyncset.s32 @!p0 $0xFFFFF086;
	s6 =	sadd.s32 @!p0 s3, s7;
	s7 =	simm.s32 @!p0 $0x108  }
0x21: {  	s3 =	sadd.s32 s3, s9;
	s6 =	sadd.s32 @!p0 $0x88, s6;
	s7 =	simm.s32 @p2 $0x1082  }
0x22: {  	[simem:s7], [sflag:s8] =	dma.local @!p0 [hbm:s6], $0xF7A  }
0x23: {  	s9 =	sor.u32 $0xD0000000, s2;
	s6 =	simm.s32 $0x108;
	_ =	swait.ge @!p0 [sflag:s8], $0x0  }
0x24: {  	s3 =	sadd.s32 $0x88, s3;
	s6 =	simm.s32 @!p1 $0x1082;
	[sflag:s4] =	ssyncset.s32 $0xFFFFF086  }
0x25: {  	[simem:s6], [sflag:s4] =	dma.local [hbm:s3], $0xF7A  }
0x26: {  	[smem:$0x3F9F] =	sst s1;
	(tag) =	ssettag s2;
	_ =	strace s9  }
0x27: {  	s1 =	sld [smem:$0x3FAF]  }
0x28: {  	s2 =	sld [smem:$0x3FB0]  }
0x29: {  	s4 =	sld [smem:$0x3FB2]  }
0x2a: {  	p0 =	seq.s32 s5, $0x0;
	s5 =	sld [smem:$0x3FB3]  }
0x2b: {  	s6 =	sld [smem:$0x3FB4]  }
0x2c: {  	s7 =	sld [smem:$0x3FB5]  }
0x2d: {  	s3 =	simm.s32 $0x108;
	s8 =	sld [smem:$0x3FB6]  }
0x2e: {  	s3 =	simm.s32 @!p0 $0x1082;
	s9 =	sld [smem:$0x3FB7]  }
0x2f: {  	lr =	sadd.s32 s0, s3;
	s0 =	sld [smem:$0x3FAE]  }
0x30: {  	s3 =	sld [smem:$0x3FB1]  }
0x31: {  	[smem:$0x3FBA] =	sst s10  }
0x32: {  	s10 =	sld [smem:$0x3FB8];
	_ =	sdelay $0x3  }
0x33: {  	p0 =	seq.s32 s10, $0x1;
	s10 =	sld [smem:$0x3FBA];
	_ =	sdelay $0x3  }
0x34: {  	[smem:$0x3FBA] =	sst s10  }
0x35: {  	s10 =	sld [smem:$0x3FB9];
	_ =	sdelay $0x3  }
0x36: {  	p1 =	seq.s32 s10, $0x1;
	s10 =	sld [smem:$0x3FBA];
	_ =	sdelay $0x3  }
0x37: {  	[smem:$0x3FBA] =	sst s10  }
0x38: {  	s10 =	sld [smem:$0x3FBB]  }
0x39: {  	_ = 	snop;
	(pc) =	sbr.ind lr, $3  }
0x3a: {  	_ = 	snop  }
0x3b: {  	_ = 	snop  }
0x3c: {  	p2 =	seq.s32 s10, $0x1;
	s10 =	sld [smem:$0x3FBA]  }
0x3d: {  	_ =	shalt  }
0x3e: {  	_ =	shalt  }
0x3f: {  	_ =	shalt  }
0x40: {  	_ =	shalt  }
0x41: {  	_ =	shalt  }
0x42: {  	_ =	shalt  }
0x43: {  	_ =	shalt  }
0x44: {  	_ =	shalt  }
0x45: {  	_ =	shalt  }
0x46: {  	_ =	shalt  }
0x47: {  	_ =	shalt  }
0x48: {  	_ =	shalt  }
0x49: {  	_ =	shalt  }
0x4a: {  	_ =	shalt  }
0x4b: {  	_ =	shalt  }
0x4c: {  	_ =	shalt  }
0x4d: {  	_ =	shalt  }
0x4e: {  	_ =	shalt  }
0x4f: {  	_ =	shalt  }
0x50: {  	_ =	shalt  }
0x51: {  	_ =	shalt  }
0x52: {  	_ =	shalt  }
0x53: {  	_ =	shalt  }
0x54: {  	_ =	shalt  }
0x55: {  	_ =	shalt  }
0x56: {  	_ =	shalt  }
0x57: {  	_ =	shalt  }
0x58: {  	_ =	shalt  }
0x59: {  	_ =	shalt  }
0x5a: {  	_ =	shalt  }
0x5b: {  	_ =	shalt  }
0x5c: {  	_ =	shalt  }
0x5d: {  	_ =	shalt  }
0x5e: {  	_ =	shalt  }
0x5f: {  	_ =	shalt  }
0x60: {  	_ =	shalt  }
0x61: {  	_ =	shalt  }
0x62: {  	_ =	shalt  }
0x63: {  	_ =	shalt  }
0x64: {  	_ =	shalt  }
0x65: {  	_ =	shalt  }
0x66: {  	_ =	shalt  }
0x67: {  	_ =	shalt  }
0x68: {  	_ =	shalt  }
0x69: {  	_ =	shalt  }
0x6a: {  	_ =	shalt  }
0x6b: {  	_ =	shalt  }
0x6c: {  	_ =	shalt  }
0x6d: {  	_ =	shalt  }
0x6e: {  	_ =	shalt  }
0x6f: {  	_ =	shalt  }
0x70: {  	_ =	shalt  }
0x71: {  	_ =	shalt  }
0x72: {  	_ =	shalt  }
0x73: {  	_ =	shalt  }
0x74: {  	_ =	shalt  }
0x75: {  	_ =	shalt  }
0x76: {  	_ =	shalt  }
0x77: {  	_ =	shalt  }
0x78: {  	_ =	shalt  }
0x79: {  	_ =	shalt  }
0x7a: {  	_ =	shalt  }
0x7b: {  	_ =	shalt  }
0x7c: {  	_ =	shalt  }
0x7d: {  	_ =	shalt  }
0x7e: {  	_ =	shalt  }
0x7f: {  	_ =	shalt  }
0x80: {  	_ =	shalt  }
0x81: {  	_ =	shalt  }
0x82: {  	_ =	shalt  }
0x83: {  	_ =	shalt  }
0x84: {  	_ =	shalt  }
0x85: {  	_ =	shalt  }
0x86: {  	_ =	shalt  }
0x87: {  	_ =	shalt  }
.Lfunc_end0:
.L_simem_size_0:
called_computation_lowered:
.L_overlay_start_0:
0x88: {  	s2 =	sld [smem:$0x3FD9]  }
0x89: {  	s3 =	sld [smem:$0x3FFE];
	_ =	sdelay $0x1  }
0x8a: {  	s1 =	srdreg.scid  }
0x8b: {  	s0 =	sand.u32 $0x1, s1  }
0x8c: {  	s14 =	sshll.u32 s0, $0xA;
	s2 =	sadd.s32 s3, s2  }
0x8d: {  	s2 =	sadd.s32 s2, s14  }
0x8e: {  	[smem:$0x3FC6] =	sst s2  }
0x8f: {  	_ = 	snop  }
0x90: {  	s2 =	sld [smem:$0x3FD0];
	_ =	sdelay $0x2  }
0x91: {  	s15 =	simm.s32 $0xA;
	s4 =	simm.s32 $0x10  }
0x92: {  	[smem:s4], [sflag:s15] =	dma.local [hbm:s2], $0x1  }
0x93: {  	_ =	swait.eq [sflag:s15], $0x1  }
0x94: {  	[sflag:s15] =	ssyncset.done $0x0  }
0x95: {  	[sflag:s15] =	ssyncadd.s32 $0xFFFFFFFF  }
0x96: {  	s16 =	sld [smem:$0x10];
	(tm) =	ssettm $0x1  }
0x97: {  	s17 =	sld [smem:$0x3FFB];
	_ =	sdelay $0x3  }
0x98: {  	_ =	strace s17  }
0x99: {  	s3 =	sld [smem:$0x3FFC];
	_ =	sdelay $0x3  }
0x9a: {  	_ =	strace s3  }
0x9b: {  	s3 =	sld [smem:$0x3FFD];
	_ =	sdelay $0x3  }
0x9c: {  	_ =	strace s3  }
0x9d: {  	_ =	strace $0x8FFFFFFF  }
0x9e: {  	s18 =	sld [smem:$0x3FDB];
	_ =	sdelay $0x1  }
0x9f: {  	s19 =	simm.s32 $_scs_section_size  }
0xa0: {  	s5 =	simm.s32 $_size__tile_overlayer_lowered;
	s6 =	simm.s32 $_tile_overlayer_lowered  }
0xa1: {  	s22 =	simm.s32 $0x1BFF;
	s21 =	sshll.u32 s6, $0x1;
	s3 =	sadd.s32 s19, s18  }
0xa2: {  	s7 =	simm.s32 $0x0;
	s20 =	sshll.u32 s5, $0x1;
	s5 =	sadd.s32 s21, s3  }
0xa3: {  	[timem:s7], [sflag:s22] =	dma.local [hbm:s5], s20  }
0xa4: {  	_ =	swait.ge [sflag:s22], s20  }
0xa5: {  	s4 =	ssub.s32 $0x0, s20;
	[sflag:s22] =	ssyncset.done $0x0  }
0xa6: {  	[sflag:s22] =	ssyncadd.s32 s4;
	_ =	sdelay $0x1  }
0xa7: {  	s23 =	simm.s32 $0x1B8B  }
0xa8: {  	_ =	swait.ge [sflag:s23], $0x1  }
0xa9: {  	[sflag:s23] =	ssyncset.done $0x0  }
0xaa: {  	s25 =	simm.s32 $0x1B8E;
	s24 =	sld [smem:$0x3FFE];
	[sflag:s23] =	ssyncadd.s32 $0xFFFFFFFF  }
0xab: {  	s26 =	simm.s32 $execute0_lowered;
	[smem:$0x3FD2] =	sst s25  }
0xac: {  	s5 =	sshll.u32 s26, $0x1;
	_ =	strace $0x80000046;
	[dreg:$0x1] =	wrdreg $0xFFFFFFFF  }
0xad: {  	s28 =	simm.s32 $_size_execute0_lowered;
	s3 =	sadd.s32 s3, s5;
	[dreg:$0x0] =	wrdreg $0x0  }
0xae: {  	s5 =	sshll.u32 s28, $0x1;
	[dreg:$0x2] =	wrdreg s3  }
0xaf: {  	[dreg:$0x3] =	wrdreg s5  }
0xb0: {  	[dreg:$0x4] =	wrdreg $0xC0  }
0xb1: {  	_ =	task [dreg:s7], $0x5FFFF  }
0xb2: {  	[dreg:$0x1] =	wrdreg $0xFFFFFFFF  }
0xb3: {  	[dreg:$0x0] =	wrdreg $0x60  }
0xb4: {  	[dreg:$0x2] =	wrdreg s16  }
0xb5: {  	[dreg:$0x3] =	wrdreg s24  }
0xb6: {  	[dreg:$0x4] =	wrdreg $0x9  }
0xb7: {  	_ =	task.clear_ibuf [dreg:s7], $0x5FFFF;
	_ =	strace $0x90000046  }
0xb8: {  	s29 =	simm.s32 $0x9;
	_ =	strace $0x80000048  }
0xb9: {  	_ =	swait.ge [sflag:s29], $0x1  }
0xba: {  	[sflag:s29] =	ssyncadd.s32 $0xFFFFFFFF  }
0xbb: {  	_ =	strace $0x90000048  }
0xbc: {  	_ =	sfence  }
0xbd: {  	s30 =	sld [smem:$0x0];
	_ =	sdelay $0x2  }
0xbe: {  	s31 =	sshll.u32 s1, $0xD;
	s1 =	sshrl.u32 s1, $0x2  }
0xbf: {  	s3 =	sand.u32 $0x4000, s31;
	s1 =	sadd.s32 s1, s30  }
0xc0: {  	s0 =	sor.u32 s3, s0;
	s1 =	sshll.u32 s1, $0x11  }
0xc1: {  	s0 =	sor.u32 s1, s0  }
0xc2: {  	s0 =	sadd.s32 $0x8F2B, s0  }
0xc3: {  	[sflag:s0] =	ssyncadd.remote.s32 $0x1  }
0xc4: {  	_ =	sfence.sel $0xFFFF  }
0xc5: {  	[dreg:$0x0] =	wrdreg $0xFFFFFFFF;
	(pc) =	sbr.abs _section_cstart, $3  }
0xc6: {  	[dreg:$0x1] =	wrdreg $0xFFFFFFFF  }
0xc7: {  	_ =	task.clear_ibuf [dreg:s7], $0x2FFFF;
	_ =	strace $0x9FFFFFFF  }
0xc8: {  	(tm) =	ssettm $0x7FFFFFFF  }
0xc9: {  	_ =	shalt  }
tec
execute0_lowered:
.L_overlay_start_1:
0x0: {  	(tag) =	ssettag $0x1  }
0x1: {  	s5 =	rddreg [dreg:$0x0];
	s1 =	srdreg.scid  }
0x2: {  	s0 =	stileid.u32;
	s3 =	rddreg [dreg:$0x1]  }
0x3: {  	s2 =	simm.s32 $0x0;
	s20 =	simm.s32 $0x1800;
	s21 =	simm.s32 $0x100  }
0x4: {  	s23 =	simm.s32 $0x2800;
	s24 =	simm.s32 $0x180;
	s25 =	simm.s32 $0x3800  }
0x5: {  	s26 =	simm.s32 $0x200;
	s7 =	simm.s32 $0x80;
	s11 =	simm.s32 $0x300  }
0x6: {  	s12 =	simm.s32 $0x6800;
	s13 =	simm.s32 $0x380;
	s14 =	simm.s32 $0x7800  }
0x7: {  	s15 =	simm.s32 $0x400;
	s16 =	simm.s32 $0x8800;
	s17 =	simm.s32 $0x480  }
0x8: {  	s18 =	simm.s32 $0x9800;
	p0 =	por $0x0, $0x0;
	[smem:$0x7FF] =	sst s2  }
0x9: {  	s28 =	simm.s32 $0x700;
	_ =	strace $0x80000047;
	[dreg:$0x5] =	wrdreg s20  }
0xa: {  	s29 =	simm.s32 $0xE800;
	s30 =	simm.s32 $0x780;
	[dreg:$0x6] =	wrdreg s21  }
0xb: {  	s1 =	sand.u32 $0x1, s1;
	s4 =	sshll.u32 s0, $0x1;
	[dreg:$0x7] =	wrdreg s23  }
0xc: {  	s4 =	sor.u32 s1, s4;
	s1 =	ssub.s32 $0x2, s1;
	[dreg:$0x8] =	wrdreg s24  }
0xd: {  	s31 =	simm.s32 $0xF800;
	[dreg:$0x9] =	wrdreg s25;
	s22 =	sshrl.u32 s1, $0x1  }
0xe: {  	[dreg:$0xa] =	wrdreg s26;
	s20 =	simm.s32 $0xA800;
	s1 =	ssub.s32 s1, s22  }
0xf: {  	s21 =	simm.s32 $0x580;
	s23 =	simm.s32 $0x600;
	s1 =	smax.u32 s1, $0x1  }
0x10: {  	s24 =	simm.s32 $0xC800;
	s25 =	simm.s32 $0x680;
	p1 =	sne.s32 s1, $0x1  }
.Ltmp0:
0x11: {  	s6 =	sshll.u32 s4, $0xD;
	s4 =	sshll.u32 s4, $0x8;
	(pc) =	sbr.rel @!p1 .LBB2_3-.Ltmp0, $4  }
0x12: {  	s26 =	simm.s32 $0xD800;
	s6 =	sadd.s32 s6, s3;
	s3 =	sadd.s32 s3, s4  }
0x13: {  	s4 =	simm.s32 $0x800;
	s22 =	simm.s32 $0xB800;
	[dreg:$0x3] =	wrdreg s3  }
0x14: {  	s19 =	sadd.s32 $0x2000, s6;
	s3 =	simm.s32 $0x2;
	s6 =	simm.s32 $0x1  }
0x15: {  	[dreg:$0x4] =	wrdreg s19;
	s19 =	simm.s32 $0x500;
	s8 =	sadd.s32 $0xFFFFFFFF, s1  }
0x16: {  	s0 =	rddreg [dreg:$0x3]  }
0x17: {  	[tilespmem:s2], [sflag:$0x2] =	stream.linear.gather [hbm4b:s0+s2], $0x800, $0x38;
	[tilespmem:$0x10800] =	vst v63  }
0x18: {  	_ =	swait.ge [sflag:s3], $0x800  }
0x19: {  	s10 =	rddreg [dreg:$0x6]  }
0x1a: {  	s1 =	rddreg [dreg:$0x5]  }
0x1b: {  	s0 =	rddreg [dreg:$0x7]  }
0x1c: {  	[sflag:s3] =	ssyncset.done $0x0;
	[dreg:$0xb] =	wrdreg s10  }
0x1d: {  	[sflag:s3] =	ssyncadd.s32 $0xFFFFF800;
	s10 =	rddreg [dreg:$0x9]  }
0x1e: {  	[tilespmem:s4], [sflag:$0x1] =	stream.indirect.gather [hbm4b:s5+s7], $0x20, s2, s7, $0xb8;
	[tilespmem:$0x10800] =	vst v63  }
0x1f: {  	[dreg:$0xc] =	wrdreg s10  }
0x20: {  	s10 =	rddreg [dreg:$0xb]  }
0x21: {  	[tilespmem:s1], [sflag:$0x1] =	stream.indirect.gather [hbm4b:s5+s7], $0x20, s7, s7, $0xb8;
	[tilespmem:$0x10800] =	vst v63  }
0x22: {  	s1 =	rddreg [dreg:$0x8]  }
0x23: {  	[tilespmem:s0], [sflag:$0x1] =	stream.indirect.gather [hbm4b:s5+s7], $0x20, s10, s7, $0xb8;
	[tilespmem:$0x10800] =	vst v63  }
0x24: {  	s10 =	rddreg [dreg:$0xc]  }
0x25: {  	[tilespmem:s10], [sflag:$0x1] =	stream.indirect.gather [hbm4b:s5+s7], $0x20, s1, s7, $0xb8;
	[tilespmem:$0x10800] =	vst v63  }
0x26: {  	s9 =	simm.s32 $0x4800;
	s0 =	rddreg [dreg:$0xa]  }
0x27: {  	[tilespmem:s9], [sflag:$0x1] =	stream.indirect.gather [hbm4b:s5+s7], $0x20, s0, s7, $0xb8;
	[tilespmem:$0x10800] =	vst v63  }
0x28: {  	s1 =	simm.s32 $0x280;
	s9 =	simm.s32 $0x5800  }
0x29: {  	[tilespmem:s9], [sflag:$0x1] =	stream.indirect.gather [hbm4b:s5+s7], $0x20, s1, s7, $0xb8;
	[tilespmem:$0x10800] =	vst v63  }
0x2a: {  	_ = 	snop  }
0x2b: {  	[tilespmem:s12], [sflag:$0x1] =	stream.indirect.gather [hbm4b:s5+s7], $0x20, s11, s7, $0xb8;
	[tilespmem:$0x10800] =	vst v63  }
0x2c: {  	_ = 	snop  }
0x2d: {  	[tilespmem:s14], [sflag:$0x1] =	stream.indirect.gather [hbm4b:s5+s7], $0x20, s13, s7, $0xb8;
	[tilespmem:$0x10800] =	vst v63  }
0x2e: {  	_ = 	snop  }
0x2f: {  	[tilespmem:s16], [sflag:$0x1] =	stream.indirect.gather [hbm4b:s5+s7], $0x20, s15, s7, $0xb8;
	[tilespmem:$0x10800] =	vst v63  }
0x30: {  	_ = 	snop  }
0x31: {  	[tilespmem:s18], [sflag:$0x1] =	stream.indirect.gather [hbm4b:s5+s7], $0x20, s17, s7, $0xb8;
	[tilespmem:$0x10800] =	vst v63  }
0x32: {  	_ = 	snop  }
0x33: {  	[tilespmem:s20], [sflag:$0x1] =	stream.indirect.gather [hbm4b:s5+s7], $0x20, s19, s7, $0xb8;
	[tilespmem:$0x10800] =	vst v63  }
0x34: {  	_ = 	snop  }
0x35: {  	[tilespmem:s22], [sflag:$0x1] =	stream.indirect.gather [hbm4b:s5+s7], $0x20, s21, s7, $0xb8;
	[tilespmem:$0x10800] =	vst v63  }
0x36: {  	_ = 	snop  }
0x37: {  	[tilespmem:s24], [sflag:$0x1] =	stream.indirect.gather [hbm4b:s5+s7], $0x20, s23, s7, $0xb8;
	[tilespmem:$0x10800] =	vst v63  }
0x38: {  	_ = 	snop  }
0x39: {  	[tilespmem:s26], [sflag:$0x1] =	stream.indirect.gather [hbm4b:s5+s7], $0x20, s25, s7, $0xb8;
	[tilespmem:$0x10800] =	vst v63  }
0x3a: {  	_ = 	snop  }
0x3b: {  	[tilespmem:s29], [sflag:$0x1] =	stream.indirect.gather [hbm4b:s5+s7], $0x20, s28, s7, $0xb8;
	[tilespmem:$0x10800] =	vst v63  }
0x3c: {  	_ = 	snop  }
0x3d: {  	[tilespmem:s31], [sflag:$0x1] =	stream.indirect.gather [hbm4b:s5+s7], $0x20, s30, s7, $0xb8;
	[tilespmem:$0x10800] =	vst v63  }
0x3e: {  	_ =	swait.ge [sflag:s6], $0x1000  }
0x3f: {  	[sflag:s6] =	ssyncset.done $0x0  }
0x40: {  	[sflag:s6] =	ssyncadd.s32 $0xFFFFF000  }
0x41: {  	_ =	swait.ge [sflag:s6], $0x1000  }
0x42: {  	[sflag:s6] =	ssyncset.done $0x0  }
0x43: {  	[sflag:s6] =	ssyncadd.s32 $0xFFFFF000  }
0x44: {  	_ =	swait.ge [sflag:s6], $0x1000  }
0x45: {  	[sflag:s6] =	ssyncset.done $0x0  }
0x46: {  	[sflag:s6] =	ssyncadd.s32 $0xFFFFF000  }
0x47: {  	_ =	swait.ge [sflag:s6], $0x1000  }
0x48: {  	[sflag:s6] =	ssyncset.done $0x0  }
0x49: {  	[sflag:s6] =	ssyncadd.s32 $0xFFFFF000  }
0x4a: {  	_ =	swait.ge [sflag:s6], $0x1000  }
0x4b: {  	[sflag:s6] =	ssyncset.done $0x0  }
0x4c: {  	[sflag:s6] =	ssyncadd.s32 $0xFFFFF000  }
0x4d: {  	_ =	swait.ge [sflag:s6], $0x1000  }
0x4e: {  	[sflag:s6] =	ssyncset.done $0x0  }
0x4f: {  	[sflag:s6] =	ssyncadd.s32 $0xFFFFF000  }
0x50: {  	_ =	swait.ge [sflag:s6], $0x1000  }
0x51: {  	[sflag:s6] =	ssyncset.done $0x0  }
0x52: {  	[sflag:s6] =	ssyncadd.s32 $0xFFFFF000  }
0x53: {  	_ =	swait.ge [sflag:s6], $0x1000  }
0x54: {  	[sflag:s6] =	ssyncset.done $0x0  }
0x55: {  	[sflag:s6] =	ssyncadd.s32 $0xFFFFF000  }
0x56: {  	_ =	swait.ge [sflag:s6], $0x1000  }
0x57: {  	[sflag:s6] =	ssyncset.done $0x0  }
0x58: {  	[sflag:s6] =	ssyncadd.s32 $0xFFFFF000  }
0x59: {  	_ =	swait.ge [sflag:s6], $0x1000  }
0x5a: {  	[sflag:s6] =	ssyncset.done $0x0  }
0x5b: {  	[sflag:s6] =	ssyncadd.s32 $0xFFFFF000  }
0x5c: {  	_ =	swait.ge [sflag:s6], $0x1000  }
0x5d: {  	[sflag:s6] =	ssyncset.done $0x0  }
0x5e: {  	[sflag:s6] =	ssyncadd.s32 $0xFFFFF000  }
0x5f: {  	_ =	swait.ge [sflag:s6], $0x1000  }
0x60: {  	[sflag:s6] =	ssyncset.done $0x0  }
0x61: {  	[sflag:s6] =	ssyncadd.s32 $0xFFFFF000  }
0x62: {  	_ =	swait.ge [sflag:s6], $0x1000  }
0x63: {  	[sflag:s6] =	ssyncset.done $0x0  }
0x64: {  	[sflag:s6] =	ssyncadd.s32 $0xFFFFF000  }
0x65: {  	_ =	swait.ge [sflag:s6], $0x1000  }
0x66: {  	[sflag:s6] =	ssyncset.done $0x0  }
0x67: {  	[sflag:s6] =	ssyncadd.s32 $0xFFFFF000  }
0x68: {  	_ =	swait.ge [sflag:s6], $0x1000  }
0x69: {  	p1 =	sne.s32 s8, $0x1;
	[sflag:s6] =	ssyncset.done $0x0  }
.Ltmp1:
0x6a: {  	[sflag:s6] =	ssyncadd.s32 $0xFFFFF000;
	(pc) =	sbr.rel @!p1 .LBB2_3-.Ltmp1, $4  }
0x6b: {  	_ =	swait.ge [sflag:s6], $0x1000  }
0x6c: {  	p0 =	por $0x1, $0x1;
	[sflag:s6] =	ssyncset.done $0x0  }
0x6d: {  	s1 =	sadd.s32 $0xFFFFFFFF, s8;
	s10 =	rddreg [dreg:$0x4];
	[sflag:s6] =	ssyncadd.s32 $0xFFFFF000  }
0x6e: {  	[hbm4b:s10+s2] =	stream.linear.scatter [tilespmem:s4], [sflag:$0x2], $0x10000, $0x38;
	[tilespmem:$0x10800] =	vst v63  }
.LBB2_2:
0x6f: {  	_ =	swait.ge [sflag:s3], $0x10000  }
0x70: {  	[sflag:s3] =	ssyncset.done $0x0  }
0x71: {  	s0 =	rddreg [dreg:$0x3];
	[sflag:s3] =	ssyncadd.s32 $0xFFFF0000  }
0x72: {  	[tilespmem:s2], [sflag:$0x2] =	stream.linear.gather [hbm4b:s0+s2], $0x800, $0x38;
	[tilespmem:$0x10800] =	vst v63  }
0x73: {  	_ =	swait.ge [sflag:s3], $0x800  }
0x74: {  	s0 =	rddreg [dreg:$0x6];
	[sflag:s3] =	ssyncset.done $0x0  }
0x75: {  	s8 =	rddreg [dreg:$0x5];
	[sflag:s3] =	ssyncadd.s32 $0xFFFFF800  }
0x76: {  	[tilespmem:s4], [sflag:$0x1] =	stream.indirect.gather [hbm4b:s5+s7], $0x20, s2, s7, $0xb8;
	[tilespmem:$0x10800] =	vst v63  }
0x77: {  	s9 =	rddreg [dreg:$0x7]  }
0x78: {  	[tilespmem:s8], [sflag:$0x1] =	stream.indirect.gather [hbm4b:s5+s7], $0x20, s7, s7, $0xb8;
	[tilespmem:$0x10800] =	vst v63  }
0x79: {  	s10 =	rddreg [dreg:$0x9]  }
0x7a: {  	[tilespmem:s9], [sflag:$0x1] =	stream.indirect.gather [hbm4b:s5+s7], $0x20, s0, s7, $0xb8;
	[tilespmem:$0x10800] =	vst v63  }
0x7b: {  	s8 =	rddreg [dreg:$0x8]  }
0x7c: {  	[tilespmem:s10], [sflag:$0x1] =	stream.indirect.gather [hbm4b:s5+s7], $0x20, s8, s7, $0xb8;
	[tilespmem:$0x10800] =	vst v63  }
0x7d: {  	s0 =	rddreg [dreg:$0xa];
	s8 =	simm.s32 $0x4800  }
0x7e: {  	[tilespmem:s8], [sflag:$0x1] =	stream.indirect.gather [hbm4b:s5+s7], $0x20, s0, s7, $0xb8;
	[tilespmem:$0x10800] =	vst v63  }
0x7f: {  	s9 =	simm.s32 $0x280;
	s10 =	simm.s32 $0x5800  }
0x80: {  	[tilespmem:s10], [sflag:$0x1] =	stream.indirect.gather [hbm4b:s5+s7], $0x20, s9, s7, $0xb8;
	[tilespmem:$0x10800] =	vst v63  }
0x81: {  	_ = 	snop  }
0x82: {  	[tilespmem:s12], [sflag:$0x1] =	stream.indirect.gather [hbm4b:s5+s7], $0x20, s11, s7, $0xb8;
	[tilespmem:$0x10800] =	vst v63  }
0x83: {  	_ = 	snop  }
0x84: {  	[tilespmem:s14], [sflag:$0x1] =	stream.indirect.gather [hbm4b:s5+s7], $0x20, s13, s7, $0xb8;
	[tilespmem:$0x10800] =	vst v63  }
0x85: {  	_ = 	snop  }
0x86: {  	[tilespmem:s16], [sflag:$0x1] =	stream.indirect.gather [hbm4b:s5+s7], $0x20, s15, s7, $0xb8;
	[tilespmem:$0x10800] =	vst v63  }
0x87: {  	_ = 	snop  }
0x88: {  	[tilespmem:s18], [sflag:$0x1] =	stream.indirect.gather [hbm4b:s5+s7], $0x20, s17, s7, $0xb8;
	[tilespmem:$0x10800] =	vst v63  }
0x89: {  	_ = 	snop  }
0x8a: {  	[tilespmem:s20], [sflag:$0x1] =	stream.indirect.gather [hbm4b:s5+s7], $0x20, s19, s7, $0xb8;
	[tilespmem:$0x10800] =	vst v63  }
0x8b: {  	_ = 	snop  }
0x8c: {  	[tilespmem:s22], [sflag:$0x1] =	stream.indirect.gather [hbm4b:s5+s7], $0x20, s21, s7, $0xb8;
	[tilespmem:$0x10800] =	vst v63  }
0x8d: {  	_ = 	snop  }
0x8e: {  	[tilespmem:s24], [sflag:$0x1] =	stream.indirect.gather [hbm4b:s5+s7], $0x20, s23, s7, $0xb8;
	[tilespmem:$0x10800] =	vst v63  }
0x8f: {  	_ = 	snop  }
0x90: {  	[tilespmem:s26], [sflag:$0x1] =	stream.indirect.gather [hbm4b:s5+s7], $0x20, s25, s7, $0xb8;
	[tilespmem:$0x10800] =	vst v63  }
0x91: {  	_ = 	snop  }
0x92: {  	[tilespmem:s29], [sflag:$0x1] =	stream.indirect.gather [hbm4b:s5+s7], $0x20, s28, s7, $0xb8;
	[tilespmem:$0x10800] =	vst v63  }
0x93: {  	_ = 	snop  }
0x94: {  	[tilespmem:s31], [sflag:$0x1] =	stream.indirect.gather [hbm4b:s5+s7], $0x20, s30, s7, $0xb8;
	[tilespmem:$0x10800] =	vst v63  }
0x95: {  	_ =	swait.ge [sflag:s6], $0x1000  }
0x96: {  	[sflag:s6] =	ssyncset.done $0x0  }
0x97: {  	[sflag:s6] =	ssyncadd.s32 $0xFFFFF000  }
0x98: {  	_ =	swait.ge [sflag:s6], $0x1000  }
0x99: {  	[sflag:s6] =	ssyncset.done $0x0  }
0x9a: {  	[sflag:s6] =	ssyncadd.s32 $0xFFFFF000  }
0x9b: {  	_ =	swait.ge [sflag:s6], $0x1000  }
0x9c: {  	[sflag:s6] =	ssyncset.done $0x0  }
0x9d: {  	[sflag:s6] =	ssyncadd.s32 $0xFFFFF000  }
0x9e: {  	_ =	swait.ge [sflag:s6], $0x1000  }
0x9f: {  	[sflag:s6] =	ssyncset.done $0x0  }
0xa0: {  	[sflag:s6] =	ssyncadd.s32 $0xFFFFF000  }
0xa1: {  	_ =	swait.ge [sflag:s6], $0x1000  }
0xa2: {  	[sflag:s6] =	ssyncset.done $0x0  }
0xa3: {  	[sflag:s6] =	ssyncadd.s32 $0xFFFFF000  }
0xa4: {  	_ =	swait.ge [sflag:s6], $0x1000  }
0xa5: {  	[sflag:s6] =	ssyncset.done $0x0  }
0xa6: {  	[sflag:s6] =	ssyncadd.s32 $0xFFFFF000  }
0xa7: {  	_ =	swait.ge [sflag:s6], $0x1000  }
0xa8: {  	[sflag:s6] =	ssyncset.done $0x0  }
0xa9: {  	[sflag:s6] =	ssyncadd.s32 $0xFFFFF000  }
0xaa: {  	_ =	swait.ge [sflag:s6], $0x1000  }
0xab: {  	[sflag:s6] =	ssyncset.done $0x0  }
0xac: {  	[sflag:s6] =	ssyncadd.s32 $0xFFFFF000  }
0xad: {  	_ =	swait.ge [sflag:s6], $0x1000  }
0xae: {  	[sflag:s6] =	ssyncset.done $0x0  }
0xaf: {  	[sflag:s6] =	ssyncadd.s32 $0xFFFFF000  }
0xb0: {  	_ =	swait.ge [sflag:s6], $0x1000  }
0xb1: {  	[sflag:s6] =	ssyncset.done $0x0  }
0xb2: {  	[sflag:s6] =	ssyncadd.s32 $0xFFFFF000  }
0xb3: {  	_ =	swait.ge [sflag:s6], $0x1000  }
0xb4: {  	[sflag:s6] =	ssyncset.done $0x0  }
0xb5: {  	[sflag:s6] =	ssyncadd.s32 $0xFFFFF000  }
0xb6: {  	_ =	swait.ge [sflag:s6], $0x1000  }
0xb7: {  	[sflag:s6] =	ssyncset.done $0x0  }
0xb8: {  	[sflag:s6] =	ssyncadd.s32 $0xFFFFF000  }
0xb9: {  	_ =	swait.ge [sflag:s6], $0x1000  }
0xba: {  	[sflag:s6] =	ssyncset.done $0x0  }
0xbb: {  	[sflag:s6] =	ssyncadd.s32 $0xFFFFF000  }
0xbc: {  	_ =	swait.ge [sflag:s6], $0x1000  }
0xbd: {  	[sflag:s6] =	ssyncset.done $0x0  }
0xbe: {  	[sflag:s6] =	ssyncadd.s32 $0xFFFFF000  }
0xbf: {  	_ =	swait.ge [sflag:s6], $0x1000  }
0xc0: {  	p1 =	sne.s32 s1, $0x1;
	[sflag:s6] =	ssyncset.done $0x0  }
.Ltmp2:
0xc1: {  	[sflag:s6] =	ssyncadd.s32 $0xFFFFF000;
	(pc) =	sbr.rel @p1 .LBB2_2-.Ltmp2, $4  }
0xc2: {  	_ =	swait.ge [sflag:s6], $0x1000  }
0xc3: {  	[sflag:s6] =	ssyncset.done $0x0  }
0xc4: {  	s1 =	sadd.s32 $0xFFFFFFFF, s1;
	s10 =	rddreg [dreg:$0x4];
	[sflag:s6] =	ssyncadd.s32 $0xFFFFF000  }
0xc5: {  	[hbm4b:s10+s2] =	stream.linear.scatter [tilespmem:s4], [sflag:$0x2], $0x10000, $0x38;
	[tilespmem:$0x10800] =	vst v63  }
.LBB2_3:
0xc6: {  	_ =	swait.ge @p0 [sflag:s3], $0x10000  }
0xc7: {  	[sflag:s3] =	ssyncset.done @p0 $0x0  }
0xc8: {  	s0 =	rddreg [dreg:$0x3];
	[sflag:s3] =	ssyncadd.s32 @p0 $0xFFFF0000  }
0xc9: {  	[tilespmem:s2], [sflag:$0x2] =	stream.linear.gather [hbm4b:s0+s2], $0x800, $0x38;
	[tilespmem:$0x10800] =	vst v63  }
0xca: {  	_ =	swait.ge [sflag:s3], $0x800  }
0xcb: {  	[sflag:s3] =	ssyncset.done $0x0;
	s10 =	rddreg [dreg:$0x5]  }
0xcc: {  	s0 =	rddreg [dreg:$0x6];
	[sflag:s3] =	ssyncadd.s32 $0xFFFFF800  }
0xcd: {  	[tilespmem:s4], [sflag:$0x1] =	stream.indirect.gather [hbm4b:s5+s7], $0x20, s2, s7, $0xb8;
	[tilespmem:$0x10800] =	vst v63  }
0xce: {  	s1 =	rddreg [dreg:$0x7]  }
0xcf: {  	[tilespmem:s10], [sflag:$0x1] =	stream.indirect.gather [hbm4b:s5+s7], $0x20, s7, s7, $0xb8;
	[tilespmem:$0x10800] =	vst v63  }
0xd0: {  	s8 =	rddreg [dreg:$0x9]  }
0xd1: {  	[tilespmem:s1], [sflag:$0x1] =	stream.indirect.gather [hbm4b:s5+s7], $0x20, s0, s7, $0xb8;
	[tilespmem:$0x10800] =	vst v63  }
0xd2: {  	s9 =	rddreg [dreg:$0x8]  }
0xd3: {  	[tilespmem:s8], [sflag:$0x1] =	stream.indirect.gather [hbm4b:s5+s7], $0x20, s9, s7, $0xb8;
	[tilespmem:$0x10800] =	vst v63  }
0xd4: {  	s10 =	simm.s32 $0x4800;
	s1 =	rddreg [dreg:$0xa]  }
0xd5: {  	[tilespmem:s10], [sflag:$0x1] =	stream.indirect.gather [hbm4b:s5+s7], $0x20, s1, s7, $0xb8;
	[tilespmem:$0x10800] =	vst v63  }
0xd6: {  	s9 =	simm.s32 $0x5800;
	s10 =	simm.s32 $0x280  }
0xd7: {  	[tilespmem:s9], [sflag:$0x1] =	stream.indirect.gather [hbm4b:s5+s7], $0x20, s10, s7, $0xb8;
	[tilespmem:$0x10800] =	vst v63  }
0xd8: {  	_ = 	snop  }
0xd9: {  	[tilespmem:s12], [sflag:$0x1] =	stream.indirect.gather [hbm4b:s5+s7], $0x20, s11, s7, $0xb8;
	[tilespmem:$0x10800] =	vst v63  }
0xda: {  	_ = 	snop  }
0xdb: {  	[tilespmem:s14], [sflag:$0x1] =	stream.indirect.gather [hbm4b:s5+s7], $0x20, s13, s7, $0xb8;
	[tilespmem:$0x10800] =	vst v63  }
0xdc: {  	_ = 	snop  }
0xdd: {  	[tilespmem:s16], [sflag:$0x1] =	stream.indirect.gather [hbm4b:s5+s7], $0x20, s15, s7, $0xb8;
	[tilespmem:$0x10800] =	vst v63  }
0xde: {  	_ = 	snop  }
0xdf: {  	[tilespmem:s18], [sflag:$0x1] =	stream.indirect.gather [hbm4b:s5+s7], $0x20, s17, s7, $0xb8;
	[tilespmem:$0x10800] =	vst v63  }
0xe0: {  	_ = 	snop  }
0xe1: {  	[tilespmem:s20], [sflag:$0x1] =	stream.indirect.gather [hbm4b:s5+s7], $0x20, s19, s7, $0xb8;
	[tilespmem:$0x10800] =	vst v63  }
0xe2: {  	_ = 	snop  }
0xe3: {  	[tilespmem:s22], [sflag:$0x1] =	stream.indirect.gather [hbm4b:s5+s7], $0x20, s21, s7, $0xb8;
	[tilespmem:$0x10800] =	vst v63  }
0xe4: {  	_ = 	snop  }
0xe5: {  	[tilespmem:s24], [sflag:$0x1] =	stream.indirect.gather [hbm4b:s5+s7], $0x20, s23, s7, $0xb8;
	[tilespmem:$0x10800] =	vst v63  }
0xe6: {  	_ = 	snop  }
0xe7: {  	[tilespmem:s26], [sflag:$0x1] =	stream.indirect.gather [hbm4b:s5+s7], $0x20, s25, s7, $0xb8;
	[tilespmem:$0x10800] =	vst v63  }
0xe8: {  	_ = 	snop  }
0xe9: {  	[tilespmem:s29], [sflag:$0x1] =	stream.indirect.gather [hbm4b:s5+s7], $0x20, s28, s7, $0xb8;
	[tilespmem:$0x10800] =	vst v63  }
0xea: {  	_ = 	snop  }
0xeb: {  	[tilespmem:s31], [sflag:$0x1] =	stream.indirect.gather [hbm4b:s5+s7], $0x20, s30, s7, $0xb8;
	[tilespmem:$0x10800] =	vst v63  }
0xec: {  	_ =	swait.ge [sflag:s6], $0x1000  }
0xed: {  	[sflag:s6] =	ssyncset.done $0x0  }
0xee: {  	[sflag:s6] =	ssyncadd.s32 $0xFFFFF000  }
0xef: {  	_ =	swait.ge [sflag:s6], $0x1000  }
0xf0: {  	[sflag:s6] =	ssyncset.done $0x0  }
0xf1: {  	[sflag:s6] =	ssyncadd.s32 $0xFFFFF000  }
0xf2: {  	_ =	swait.ge [sflag:s6], $0x1000  }
0xf3: {  	[sflag:s6] =	ssyncset.done $0x0  }
0xf4: {  	[sflag:s6] =	ssyncadd.s32 $0xFFFFF000  }
0xf5: {  	_ =	swait.ge [sflag:s6], $0x1000  }
0xf6: {  	[sflag:s6] =	ssyncset.done $0x0  }
0xf7: {  	[sflag:s6] =	ssyncadd.s32 $0xFFFFF000  }
0xf8: {  	_ =	swait.ge [sflag:s6], $0x1000  }
0xf9: {  	[sflag:s6] =	ssyncset.done $0x0  }
0xfa: {  	[sflag:s6] =	ssyncadd.s32 $0xFFFFF000  }
0xfb: {  	_ =	swait.ge [sflag:s6], $0x1000  }
0xfc: {  	[sflag:s6] =	ssyncset.done $0x0  }
0xfd: {  	[sflag:s6] =	ssyncadd.s32 $0xFFFFF000  }
0xfe: {  	_ =	swait.ge [sflag:s6], $0x1000  }
0xff: {  	[sflag:s6] =	ssyncset.done $0x0  }
0x100: {  	[sflag:s6] =	ssyncadd.s32 $0xFFFFF000  }
0x101: {  	_ =	swait.ge [sflag:s6], $0x1000  }
0x102: {  	[sflag:s6] =	ssyncset.done $0x0  }
0x103: {  	[sflag:s6] =	ssyncadd.s32 $0xFFFFF000  }
0x104: {  	_ =	swait.ge [sflag:s6], $0x1000  }
0x105: {  	[sflag:s6] =	ssyncset.done $0x0  }
0x106: {  	[sflag:s6] =	ssyncadd.s32 $0xFFFFF000  }
0x107: {  	_ =	swait.ge [sflag:s6], $0x1000  }
0x108: {  	[sflag:s6] =	ssyncset.done $0x0  }
0x109: {  	[sflag:s6] =	ssyncadd.s32 $0xFFFFF000  }
0x10a: {  	_ =	swait.ge [sflag:s6], $0x1000  }
0x10b: {  	[sflag:s6] =	ssyncset.done $0x0  }
0x10c: {  	[sflag:s6] =	ssyncadd.s32 $0xFFFFF000  }
0x10d: {  	_ =	swait.ge [sflag:s6], $0x1000  }
0x10e: {  	[sflag:s6] =	ssyncset.done $0x0  }
0x10f: {  	[sflag:s6] =	ssyncadd.s32 $0xFFFFF000  }
0x110: {  	_ =	swait.ge [sflag:s6], $0x1000  }
0x111: {  	[sflag:s6] =	ssyncset.done $0x0  }
0x112: {  	[sflag:s6] =	ssyncadd.s32 $0xFFFFF000  }
0x113: {  	_ =	swait.ge [sflag:s6], $0x1000  }
0x114: {  	[sflag:s6] =	ssyncset.done $0x0  }
0x115: {  	[sflag:s6] =	ssyncadd.s32 $0xFFFFF000  }
0x116: {  	_ =	swait.ge [sflag:s6], $0x1000  }
0x117: {  	[sflag:s6] =	ssyncset.done $0x0  }
0x118: {  	[sflag:s6] =	ssyncadd.s32 $0xFFFFF000  }
0x119: {  	_ =	swait.ge [sflag:s6], $0x1000  }
0x11a: {  	[sflag:s6] =	ssyncset.done $0x0  }
0x11b: {  	s30 =	rddreg [dreg:$0x4];
	[sflag:s6] =	ssyncadd.s32 $0xFFFFF000  }
0x11c: {  	[hbm4b:s30+s2] =	stream.linear.scatter [tilespmem:s4], [sflag:$0x2], $0x10000, $0x38;
	[tilespmem:$0x10800] =	vst v63  }
0x11d: {  	_ =	swait.ge [sflag:s3], $0x10000  }
0x11e: {  	[sflag:s3] =	ssyncset.done $0x0  }
0x11f: {  	[sflag:s3] =	ssyncadd.s32 $0xFFFF0000  }
0x120: {  	_ =	sfence.sel $0x180000  }
0x121: {  	[bflag:$0x0] =	sbarrier.arrive $0xFFFF  }
0x122: {  	_ =	strace $0x90000047  }
0x123: {  	s31 =	stileid.u32;
	[bflag:$0x2] =	sbarrier.arrive $0xFFFF  }
0x124: {  	p0 =	sne.s32 s31, $0x0;
	s0 =	rddreg [dreg:$0x2]  }
0x125: {  	s0 =	sadd.s32 @!p0 $0x100000, s0  }
0x126: {  	[sflag:s0] =	ssyncadd.tile.s32 @!p0 $0x1;
	_ =	shalt  }
.Lfunc_end2:
_tile_overlayer_lowered:
.L_overlay_start_2:
0x127: {  	(tag) =	ssettag $0x2  }
0x128: {  	s0 =	rddreg [dreg:$0x0];
	s2 =	stileid.u32  }
0x129: {  	s1 =	rddreg [dreg:$0x1];
	p0 =	sne.s32 s2, $0x0  }
0x12a: {  	s3 =	rddreg [dreg:$0x2];
	[bflag:$0x3] =	sbarrier.arrive $0xFFFF;
	s2 =	simm.s32 @!p0 $0x1C02  }
0x12b: {  	[timem:s3], [sflag:s2] =	dma.local @!p0 [hbm:s0], s1  }
0x12c: {  	s0 =	simm.s32 @!p0 $0x2  }
0x12d: {  	_ =	swait.ge @!p0 [sflag:s0], s1  }
0x12e: {  	s1 =	ssub.s32 @!p0 $0x0, s1;
	[sflag:s0] =	ssyncset.done @!p0 $0x0  }
0x12f: {  	[sflag:s0] =	ssyncadd.s32 @!p0 s1  }
0x130: {  	[bflag:$0x3] =	sbarrier.arrive $0xFFFF  }
0x131: {  	_ =	shalt  }

</sc_bundles>
